<compile_context>
chip_gen: v7x
topology: tpu7x:2x2x1
jax: 0.10.2.dev20260603
libtpu: 0.0.44.dev20260713+nightly
codegen_flags: <defaults>
</compile_context>

<pallas_src>
import functools

import jax
import jax.numpy as jnp
from jax import lax
from jax.experimental import pallas as pl
from jax.experimental.pallas import tpu as pltpu
from jax.experimental.pallas import tpu_sc as plsc

B, N, D = 8, 4096, 256
BLK = 512
NW = 32
ROWS_PER_W = (B * N) // NW
CHUNK = 128
NCHUNK = ROWS_PER_W // CHUNK
PHI_PER_W = N // NW


def _rank_body(phi_row_ref, phi_full_ref, phi_col_ref, fidx_ref, phit_ref,
               acc_ref):
    ib = pl.program_id(0)
    phi_i = phi_row_ref[...]
    for jb in range(N // BLK):
        phi_j = phi_col_ref[jb * BLK:(jb + 1) * BLK, :]

        @pl.when(jb < ib)
        def _():
            le = (phi_j <= phi_i).astype(jnp.int32)
            acc_ref[jb:jb + 1, :] = jnp.sum(le, axis=0, keepdims=True)

        @pl.when(jb > ib)
        def _():
            lt = (phi_j < phi_i).astype(jnp.int32)
            acc_ref[jb:jb + 1, :] = jnp.sum(lt, axis=0, keepdims=True)

        @pl.when(jb == ib)
        def _():
            tri = (lax.broadcasted_iota(jnp.int32, (BLK, BLK), 0)
                   < lax.broadcasted_iota(jnp.int32, (BLK, BLK), 1))
            less = (phi_j < phi_i) | ((phi_j == phi_i) & tri)
            acc_ref[jb:jb + 1, :] = jnp.sum(less.astype(jnp.int32), axis=0,
                                            keepdims=True)

    rank = jnp.sum(acc_ref[...], axis=0, keepdims=True)
    boff = lax.broadcasted_iota(jnp.int32, (B, BLK), 0) * N
    fidx_ref[...] = jnp.broadcast_to(rank, (B, BLK)) + boff
    pt = jnp.transpose(phi_full_ref[...])
    phit_ref[...] = jnp.pad(pt, ((0, 0), (0, 128 - B)))


def _compute_flat_idx(key_phi, phi_col):
    return pl.pallas_call(
        _rank_body,
        grid=(N // BLK,),
        in_specs=[
            pl.BlockSpec((1, BLK), lambda i: (0, i)),
            pl.BlockSpec((B, BLK), lambda i: (0, i)),
            pl.BlockSpec((N, 1), lambda i: (0, 0)),
        ],
        out_specs=[
            pl.BlockSpec((B, BLK), lambda i: (0, i)),
            pl.BlockSpec((BLK, 128), lambda i: (i, 0)),
        ],
        out_shape=[
            jax.ShapeDtypeStruct((B, N), jnp.int32),
            jax.ShapeDtypeStruct((N, 128), jnp.float32),
        ],
        scratch_shapes=[pltpu.VMEM((N // BLK, BLK), jnp.int32)],
    )(key_phi[0:1, :], key_phi, phi_col)


@functools.cache
def _make_sc_scatter():
    mesh = plsc.VectorSubcoreMesh(core_axis_name="c", subcore_axis_name="s")

    @functools.partial(
        pl.kernel,
        mesh=mesh,
        out_type=[
            jax.ShapeDtypeStruct((B * N, D), jnp.float32),
            jax.ShapeDtypeStruct((N, 128), jnp.float32),
        ],
        scratch_types=[
            pltpu.VMEM((NCHUNK, CHUNK), jnp.int32),
            pltpu.VMEM((1, PHI_PER_W), jnp.int32),
            pltpu.VMEM((PHI_PER_W, 128), jnp.float32),
            pltpu.VMEM((CHUNK, D), jnp.float32),
            pltpu.VMEM((CHUNK, D), jnp.float32),
            pltpu.VMEM((CHUNK, D), jnp.float32),
            pltpu.SemaphoreType.DMA,
            pltpu.SemaphoreType.DMA,
            pltpu.SemaphoreType.DMA,
            pltpu.SemaphoreType.DMA,
            pltpu.SemaphoreType.DMA,
            pltpu.SemaphoreType.DMA,
            pltpu.SemaphoreType.DMA,
        ],
    )
    def _sc_scatter(embed_hbm, fidx_hbm, phit_hbm, out_embed, out_phit,
                    idx_v, idxp_v, phi_buf, buf0, buf1, buf2,
                    sl0, sl1, sl2, ss0, ss1, ss2, sem_phi):
        bufs = (buf0, buf1, buf2)
        sem_ld = (sl0, sl1, sl2)
        sem_st = (ss0, ss1, ss2)
        wid = lax.axis_index("s") * 2 + lax.axis_index("c")
        rowbase = wid * ROWS_PER_W
        pltpu.sync_copy(fidx_hbm.at[pl.ds(wid * NCHUNK, NCHUNK)], idx_v)
        pltpu.sync_copy(fidx_hbm.at[pl.ds(wid, 1)], idxp_v)
        pltpu.sync_copy(phit_hbm.at[pl.ds(wid * PHI_PER_W, PHI_PER_W)],
                        phi_buf)
        phi_scat = pltpu.async_copy(
            phi_buf, out_phit.at[idxp_v.at[0]], sem_phi)

        def load(c):
            return pltpu.async_copy(
                embed_hbm.at[pl.ds(rowbase + c * CHUNK, CHUNK)],
                bufs[c % 3], sem_ld[c % 3])

        loads = [None] * NCHUNK
        scats = [None] * NCHUNK
        loads[0] = load(0)
        loads[1] = load(1)
        for c in range(NCHUNK):
            loads[c].wait()
            scats[c] = pltpu.async_copy(
                bufs[c % 3], out_embed.at[idx_v.at[c]], sem_st[c % 3])
            if c + 2 < NCHUNK:
                if c >= 1:
                    scats[c - 1].wait()
                loads[c + 2] = load(c + 2)
        for c in range(NCHUNK - 3, NCHUNK):
            scats[c].wait()
        phi_scat.wait()

    return _sc_scatter


def kernel(key_embed, key_phi):
    phi_col = key_phi[0].reshape(N, 1)
    fidx, phit = _compute_flat_idx(key_phi, phi_col)
    embed_flat = key_embed.reshape(B * N, D)
    fidx2d = fidx.reshape((B * N) // CHUNK, CHUNK)
    emb_sorted, phit_sorted = _make_sc_scatter()(embed_flat, fidx2d, phit)
    return emb_sorted.reshape(B, N, D), phit_sorted[:, :B].T

# --- scband reference (transcript-rebuilt; emitter-appended) ---
"""Pipeline reference for scband-sorter-35064113005062 (READ-ONLY COPY).

The authoritative reference and input builder live on the scoring server;
editing this copy changes nothing except your own understanding.
"""

import jax, jax.numpy as jnp
import numpy as np


def setup_inputs(seed: int = 0) -> dict:
    key = jax.random.key(seed)
    k1, k2 = jax.random.split(key)
    key_embed = jax.random.normal(k1, (8, 4096, 256), dtype=jnp.float32)
    key_phi = jax.random.uniform(k2, (8, 4096), dtype=jnp.float32, minval=-np.pi, maxval=np.pi)
    return {"key_embed": key_embed, "key_phi": key_phi}


def reference(key_embed, key_phi):
    # Sorter.sort_inputs with input_sort_field='phi',
    # input_sort_keys={'key': {'key_embed': 1, 'key_phi': 1}}.
    # get_sort_idx: argsort the sort field along last dim; if 2D take row 0 -> 1D idx.
    sort_idx = jnp.argsort(key_phi, axis=-1)[0]
    # num_hits = key_embed.shape[1]; index_select along sort_dim=1 for each sort key.
    key_embed_sorted = jnp.take(key_embed, sort_idx, axis=1)
    key_phi_sorted = jnp.take(key_phi, sort_idx, axis=1)
    return (key_embed_sorted, key_phi_sorted)

if __name__ == "__main__":
    import jax
    _d = setup_inputs()
    print(jax.jit(kernel)(*tuple(_d.values())))

</pallas_src>

<mosaic_0001>
#map = affine_map<(d0, d1) -> (0, 0)>
module attributes {stable_mosaic.version = 14 : i64} {
  func.func @_sc_scatter(%arg0: i32, %arg1: i32, %arg2: memref<32768x256xf32, #tpu.memory_space<hbm>>, %arg3: memref<256x128xi32, #tpu.memory_space<hbm>>, %arg4: memref<4096x128xf32, #tpu.memory_space<hbm>>, %arg5: memref<32768x256xf32, #tpu.memory_space<hbm>>, %arg6: memref<4096x128xf32, #tpu.memory_space<hbm>>, %arg7: memref<8x128xi32, #tpu.memory_space<vmem>>, %arg8: memref<1x128xi32, #tpu.memory_space<vmem>>, %arg9: memref<128x128xf32, #tpu.memory_space<vmem>>, %arg10: memref<128x256xf32, #tpu.memory_space<vmem>>, %arg11: memref<128x256xf32, #tpu.memory_space<vmem>>, %arg12: memref<128x256xf32, #tpu.memory_space<vmem>>, %arg13: memref<!tpu.dma_semaphore, #tpu.memory_space<semaphore_mem>>, %arg14: memref<!tpu.dma_semaphore, #tpu.memory_space<semaphore_mem>>, %arg15: memref<!tpu.dma_semaphore, #tpu.memory_space<semaphore_mem>>, %arg16: memref<!tpu.dma_semaphore, #tpu.memory_space<semaphore_mem>>, %arg17: memref<!tpu.dma_semaphore, #tpu.memory_space<semaphore_mem>>, %arg18: memref<!tpu.dma_semaphore, #tpu.memory_space<semaphore_mem>>, %arg19: memref<!tpu.dma_semaphore, #tpu.memory_space<semaphore_mem>>) attributes {dimension_semantics = [#tpu.dimension_semantics<core_parallel>, #tpu.dimension_semantics<subcore_parallel>], iteration_bounds = array<i64: 2, 16>, scalar_prefetch = 0 : i64, scratch_operands = 13 : i64, tpu.core_type = #tpu.core_type<sc_vector_subcore>, window_params = [{transform_indices = #map}, {transform_indices = #map}, {transform_indices = #map}, {transform_indices = #map}, {transform_indices = #map}]} {
    %mul3A = arith.constant 2 : i32
    %mul3A_0 = arith.muli %arg1, %mul3A : i32
    %add3A = arith.addi %mul3A_0, %arg0 : i32
    %mul3A_1 = arith.constant 1024 : i32
    %mul3A_2 = arith.muli %add3A, %mul3A_1 : i32
    %mul3A_3 = arith.constant 8 : i32
    %mul3A_4 = arith.muli %add3A, %mul3A_3 : i32
    "tpu.region"() ({
      %run_scoped3A = tpu.sem_alloc : memref<!tpu.dma_semaphore, #tpu.memory_space<semaphore_mem>>
      %dma_start3A_211 = arith.constant 0 : i32
      %dma_start3A_212 = tpu.memref_slice %arg3[%mul3A_4, %dma_start3A_211] : memref<256x128xi32, #tpu.memory_space<hbm>> -> memref<8x128xi32, #tpu.memory_space<hbm>>
      %dma_start3A_213 = arith.constant 0 : i32
      %dma_start3A_214 = tpu.memref_slice %arg3[%mul3A_4, %dma_start3A_213] : memref<256x128xi32, #tpu.memory_space<hbm>> -> memref<8x128xi32, #tpu.memory_space<hbm>>
      tpu.enqueue_dma source(%dma_start3A_214 : memref<8x128xi32, #tpu.memory_space<hbm>>) target(%arg7 : memref<8x128xi32, #tpu.memory_space<vmem>>) target_semaphore(%run_scoped3A : memref<!tpu.dma_semaphore, #tpu.memory_space<semaphore_mem>>)
      %dma_wait3A_215 = arith.constant 0 : i32
      %dma_wait3A_216 = tpu.memref_slice %arg3[%mul3A_4, %dma_wait3A_215] : memref<256x128xi32, #tpu.memory_space<hbm>> -> memref<8x128xi32, #tpu.memory_space<hbm>>
      %dma_wait3A_217 = arith.constant 0 : i32
      %dma_wait3A_218 = tpu.memref_slice %arg3[%mul3A_4, %dma_wait3A_217] : memref<256x128xi32, #tpu.memory_space<hbm>> -> memref<8x128xi32, #tpu.memory_space<hbm>>
      tpu.wait_dma2 semaphore(%run_scoped3A : memref<!tpu.dma_semaphore, #tpu.memory_space<semaphore_mem>>) src(%dma_wait3A_218 : memref<8x128xi32, #tpu.memory_space<hbm>>) dst(%arg7 : memref<8x128xi32, #tpu.memory_space<vmem>>)
      tpu.yield
    }) : () -> ()
    "tpu.region"() ({
      %run_scoped3A = tpu.sem_alloc : memref<!tpu.dma_semaphore, #tpu.memory_space<semaphore_mem>>
      %dma_start3A_211 = arith.constant 0 : i32
      %dma_start3A_212 = tpu.memref_slice %arg3[%add3A, %dma_start3A_211] : memref<256x128xi32, #tpu.memory_space<hbm>> -> memref<1x128xi32, #tpu.memory_space<hbm>>
      %dma_start3A_213 = arith.constant 0 : i32
      %dma_start3A_214 = tpu.memref_slice %arg3[%add3A, %dma_start3A_213] : memref<256x128xi32, #tpu.memory_space<hbm>> -> memref<1x128xi32, #tpu.memory_space<hbm>>
      tpu.enqueue_dma source(%dma_start3A_214 : memref<1x128xi32, #tpu.memory_space<hbm>>) target(%arg8 : memref<1x128xi32, #tpu.memory_space<vmem>>) target_semaphore(%run_scoped3A : memref<!tpu.dma_semaphore, #tpu.memory_space<semaphore_mem>>)
      %dma_wait3A_215 = arith.constant 0 : i32
      %dma_wait3A_216 = tpu.memref_slice %arg3[%add3A, %dma_wait3A_215] : memref<256x128xi32, #tpu.memory_space<hbm>> -> memref<1x128xi32, #tpu.memory_space<hbm>>
      %dma_wait3A_217 = arith.constant 0 : i32
      %dma_wait3A_218 = tpu.memref_slice %arg3[%add3A, %dma_wait3A_217] : memref<256x128xi32, #tpu.memory_space<hbm>> -> memref<1x128xi32, #tpu.memory_space<hbm>>
      tpu.wait_dma2 semaphore(%run_scoped3A : memref<!tpu.dma_semaphore, #tpu.memory_space<semaphore_mem>>) src(%dma_wait3A_218 : memref<1x128xi32, #tpu.memory_space<hbm>>) dst(%arg8 : memref<1x128xi32, #tpu.memory_space<vmem>>)
      tpu.yield
    }) : () -> ()
    %mul3A_5 = arith.constant 128 : i32
    %mul3A_6 = arith.muli %add3A, %mul3A_5 : i32
    "tpu.region"() ({
      %run_scoped3A = tpu.sem_alloc : memref<!tpu.dma_semaphore, #tpu.memory_space<semaphore_mem>>
      %dma_start3A_211 = arith.constant 0 : i32
      %dma_start3A_212 = tpu.memref_slice %arg4[%mul3A_6, %dma_start3A_211] : memref<4096x128xf32, #tpu.memory_space<hbm>> -> memref<128x128xf32, #tpu.memory_space<hbm>>
      %dma_start3A_213 = arith.constant 0 : i32
      %dma_start3A_214 = tpu.memref_slice %arg4[%mul3A_6, %dma_start3A_213] : memref<4096x128xf32, #tpu.memory_space<hbm>> -> memref<128x128xf32, #tpu.memory_space<hbm>>
      tpu.enqueue_dma source(%dma_start3A_214 : memref<128x128xf32, #tpu.memory_space<hbm>>) target(%arg9 : memref<128x128xf32, #tpu.memory_space<vmem>>) target_semaphore(%run_scoped3A : memref<!tpu.dma_semaphore, #tpu.memory_space<semaphore_mem>>)
      %dma_wait3A_215 = arith.constant 0 : i32
      %dma_wait3A_216 = tpu.memref_slice %arg4[%mul3A_6, %dma_wait3A_215] : memref<4096x128xf32, #tpu.memory_space<hbm>> -> memref<128x128xf32, #tpu.memory_space<hbm>>
      %dma_wait3A_217 = arith.constant 0 : i32
      %dma_wait3A_218 = tpu.memref_slice %arg4[%mul3A_6, %dma_wait3A_217] : memref<4096x128xf32, #tpu.memory_space<hbm>> -> memref<128x128xf32, #tpu.memory_space<hbm>>
      tpu.wait_dma2 semaphore(%run_scoped3A : memref<!tpu.dma_semaphore, #tpu.memory_space<semaphore_mem>>) src(%dma_wait3A_218 : memref<128x128xf32, #tpu.memory_space<hbm>>) dst(%arg9 : memref<128x128xf32, #tpu.memory_space<vmem>>)
      tpu.yield
    }) : () -> ()
    %dma_start3A = arith.constant 0 : i32
    %dma_start3A_7 = arith.constant 0 : i32
    %dma_start3A_8 = tpu.memref_slice %arg8[%dma_start3A, %dma_start3A_7] : memref<1x128xi32, #tpu.memory_space<vmem>> -> memref<1x128xi32, #tpu.memory_space<vmem>>
    %dma_start3A_9 = tpu.memref_squeeze %dma_start3A_8 : memref<1x128xi32, #tpu.memory_space<vmem>> -> memref<128xi32, #tpu.memory_space<vmem>>
    %dma_start3A_10 = arith.constant 0 : i32
    %dma_start3A_11 = arith.constant 0 : i32
    %dma_start3A_12 = tpu.memref_slice %arg6[%dma_start3A_10, %dma_start3A_11] : memref<4096x128xf32, #tpu.memory_space<hbm>> -> memref<4096x128xf32, #tpu.memory_space<hbm>>
    tpu.enqueue_indirect_dma source(%arg9 : memref<128x128xf32, #tpu.memory_space<vmem>>) target(%dma_start3A_12 : memref<4096x128xf32, #tpu.memory_space<hbm>>) offsets(%dma_start3A_9 : memref<128xi32, #tpu.memory_space<vmem>>) semaphore(%arg19 : memref<!tpu.dma_semaphore, #tpu.memory_space<semaphore_mem>>)
    %add3A_13 = arith.constant 0 : i32
    %add3A_14 = arith.addi %mul3A_2, %add3A_13 : i32
    %dma_start3A_15 = arith.constant 0 : i32
    %dma_start3A_16 = tpu.memref_slice %arg2[%add3A_14, %dma_start3A_15] : memref<32768x256xf32, #tpu.memory_space<hbm>> -> memref<128x256xf32, #tpu.memory_space<hbm>>
    %dma_start3A_17 = arith.constant 0 : i32
    %dma_start3A_18 = tpu.memref_slice %arg2[%add3A_14, %dma_start3A_17] : memref<32768x256xf32, #tpu.memory_space<hbm>> -> memref<128x256xf32, #tpu.memory_space<hbm>>
    tpu.enqueue_dma source(%dma_start3A_18 : memref<128x256xf32, #tpu.memory_space<hbm>>) target(%arg10 : memref<128x256xf32, #tpu.memory_space<vmem>>) target_semaphore(%arg13 : memref<!tpu.dma_semaphore, #tpu.memory_space<semaphore_mem>>)
    %add3A_19 = arith.constant 128 : i32
    %add3A_20 = arith.addi %mul3A_2, %add3A_19 : i32
    %dma_start3A_21 = arith.constant 0 : i32
    %dma_start3A_22 = tpu.memref_slice %arg2[%add3A_20, %dma_start3A_21] : memref<32768x256xf32, #tpu.memory_space<hbm>> -> memref<128x256xf32, #tpu.memory_space<hbm>>
    %dma_start3A_23 = arith.constant 0 : i32
    %dma_start3A_24 = tpu.memref_slice %arg2[%add3A_20, %dma_start3A_23] : memref<32768x256xf32, #tpu.memory_space<hbm>> -> memref<128x256xf32, #tpu.memory_space<hbm>>
    tpu.enqueue_dma source(%dma_start3A_24 : memref<128x256xf32, #tpu.memory_space<hbm>>) target(%arg11 : memref<128x256xf32, #tpu.memory_space<vmem>>) target_semaphore(%arg14 : memref<!tpu.dma_semaphore, #tpu.memory_space<semaphore_mem>>)
    %dma_wait3A = arith.constant 0 : i32
    %dma_wait3A_25 = tpu.memref_slice %arg2[%add3A_14, %dma_wait3A] : memref<32768x256xf32, #tpu.memory_space<hbm>> -> memref<128x256xf32, #tpu.memory_space<hbm>>
    %dma_wait3A_26 = arith.constant 0 : i32
    %dma_wait3A_27 = tpu.memref_slice %arg2[%add3A_14, %dma_wait3A_26] : memref<32768x256xf32, #tpu.memory_space<hbm>> -> memref<128x256xf32, #tpu.memory_space<hbm>>
    tpu.wait_dma2 semaphore(%arg13 : memref<!tpu.dma_semaphore, #tpu.memory_space<semaphore_mem>>) src(%dma_wait3A_27 : memref<128x256xf32, #tpu.memory_space<hbm>>) dst(%arg10 : memref<128x256xf32, #tpu.memory_space<vmem>>)
    %dma_start3A_28 = arith.constant 0 : i32
    %dma_start3A_29 = arith.constant 0 : i32
    %dma_start3A_30 = tpu.memref_slice %arg7[%dma_start3A_28, %dma_start3A_29] : memref<8x128xi32, #tpu.memory_space<vmem>> -> memref<1x128xi32, #tpu.memory_space<vmem>>
    %dma_start3A_31 = tpu.memref_squeeze %dma_start3A_30 : memref<1x128xi32, #tpu.memory_space<vmem>> -> memref<128xi32, #tpu.memory_space<vmem>>
    %dma_start3A_32 = arith.constant 0 : i32
    %dma_start3A_33 = arith.constant 0 : i32
    %dma_start3A_34 = tpu.memref_slice %arg5[%dma_start3A_32, %dma_start3A_33] : memref<32768x256xf32, #tpu.memory_space<hbm>> -> memref<32768x256xf32, #tpu.memory_space<hbm>>
    tpu.enqueue_indirect_dma source(%arg10 : memref<128x256xf32, #tpu.memory_space<vmem>>) target(%dma_start3A_34 : memref<32768x256xf32, #tpu.memory_space<hbm>>) offsets(%dma_start3A_31 : memref<128xi32, #tpu.memory_space<vmem>>) semaphore(%arg16 : memref<!tpu.dma_semaphore, #tpu.memory_space<semaphore_mem>>)
    %add3A_35 = arith.constant 256 : i32
    %add3A_36 = arith.addi %mul3A_2, %add3A_35 : i32
    %dma_start3A_37 = arith.constant 0 : i32
    %dma_start3A_38 = tpu.memref_slice %arg2[%add3A_36, %dma_start3A_37] : memref<32768x256xf32, #tpu.memory_space<hbm>> -> memref<128x256xf32, #tpu.memory_space<hbm>>
    %dma_start3A_39 = arith.constant 0 : i32
    %dma_start3A_40 = tpu.memref_slice %arg2[%add3A_36, %dma_start3A_39] : memref<32768x256xf32, #tpu.memory_space<hbm>> -> memref<128x256xf32, #tpu.memory_space<hbm>>
    tpu.enqueue_dma source(%dma_start3A_40 : memref<128x256xf32, #tpu.memory_space<hbm>>) target(%arg12 : memref<128x256xf32, #tpu.memory_space<vmem>>) target_semaphore(%arg15 : memref<!tpu.dma_semaphore, #tpu.memory_space<semaphore_mem>>)
    %dma_wait3A_41 = arith.constant 0 : i32
    %dma_wait3A_42 = tpu.memref_slice %arg2[%add3A_20, %dma_wait3A_41] : memref<32768x256xf32, #tpu.memory_space<hbm>> -> memref<128x256xf32, #tpu.memory_space<hbm>>
    %dma_wait3A_43 = arith.constant 0 : i32
    %dma_wait3A_44 = tpu.memref_slice %arg2[%add3A_20, %dma_wait3A_43] : memref<32768x256xf32, #tpu.memory_space<hbm>> -> memref<128x256xf32, #tpu.memory_space<hbm>>
    tpu.wait_dma2 semaphore(%arg14 : memref<!tpu.dma_semaphore, #tpu.memory_space<semaphore_mem>>) src(%dma_wait3A_44 : memref<128x256xf32, #tpu.memory_space<hbm>>) dst(%arg11 : memref<128x256xf32, #tpu.memory_space<vmem>>)
    %dma_start3A_45 = arith.constant 1 : i32
    %dma_start3A_46 = arith.constant 0 : i32
    %dma_start3A_47 = tpu.memref_slice %arg7[%dma_start3A_45, %dma_start3A_46] : memref<8x128xi32, #tpu.memory_space<vmem>> -> memref<1x128xi32, #tpu.memory_space<vmem>>
    %dma_start3A_48 = tpu.memref_squeeze %dma_start3A_47 : memref<1x128xi32, #tpu.memory_space<vmem>> -> memref<128xi32, #tpu.memory_space<vmem>>
    %dma_start3A_49 = arith.constant 0 : i32
    %dma_start3A_50 = arith.constant 0 : i32
    %dma_start3A_51 = tpu.memref_slice %arg5[%dma_start3A_49, %dma_start3A_50] : memref<32768x256xf32, #tpu.memory_space<hbm>> -> memref<32768x256xf32, #tpu.memory_space<hbm>>
    tpu.enqueue_indirect_dma source(%arg11 : memref<128x256xf32, #tpu.memory_space<vmem>>) target(%dma_start3A_51 : memref<32768x256xf32, #tpu.memory_space<hbm>>) offsets(%dma_start3A_48 : memref<128xi32, #tpu.memory_space<vmem>>) semaphore(%arg17 : memref<!tpu.dma_semaphore, #tpu.memory_space<semaphore_mem>>)
    %dma_wait3A_52 = arith.constant 0 : i32
    %dma_wait3A_53 = arith.constant 0 : i32
    %dma_wait3A_54 = tpu.memref_slice %arg7[%dma_wait3A_52, %dma_wait3A_53] : memref<8x128xi32, #tpu.memory_space<vmem>> -> memref<1x128xi32, #tpu.memory_space<vmem>>
    %dma_wait3A_55 = tpu.memref_squeeze %dma_wait3A_54 : memref<1x128xi32, #tpu.memory_space<vmem>> -> memref<128xi32, #tpu.memory_space<vmem>>
    %dma_wait3A_56 = arith.constant 0 : i32
    %dma_wait3A_57 = arith.constant 0 : i32
    %dma_wait3A_58 = tpu.memref_slice %arg5[%dma_wait3A_56, %dma_wait3A_57] : memref<32768x256xf32, #tpu.memory_space<hbm>> -> memref<32768x256xf32, #tpu.memory_space<hbm>>
    tpu.wait_indirect_dma semaphore(%arg16 : memref<!tpu.dma_semaphore, #tpu.memory_space<semaphore_mem>>) src(%arg10 : memref<128x256xf32, #tpu.memory_space<vmem>>) dst(%dma_wait3A_58 : memref<32768x256xf32, #tpu.memory_space<hbm>>)
    %add3A_59 = arith.constant 384 : i32
    %add3A_60 = arith.addi %mul3A_2, %add3A_59 : i32
    %dma_start3A_61 = arith.constant 0 : i32
    %dma_start3A_62 = tpu.memref_slice %arg2[%add3A_60, %dma_start3A_61] : memref<32768x256xf32, #tpu.memory_space<hbm>> -> memref<128x256xf32, #tpu.memory_space<hbm>>
    %dma_start3A_63 = arith.constant 0 : i32
    %dma_start3A_64 = tpu.memref_slice %arg2[%add3A_60, %dma_start3A_63] : memref<32768x256xf32, #tpu.memory_space<hbm>> -> memref<128x256xf32, #tpu.memory_space<hbm>>
    tpu.enqueue_dma source(%dma_start3A_64 : memref<128x256xf32, #tpu.memory_space<hbm>>) target(%arg10 : memref<128x256xf32, #tpu.memory_space<vmem>>) target_semaphore(%arg13 : memref<!tpu.dma_semaphore, #tpu.memory_space<semaphore_mem>>)
    %dma_wait3A_65 = arith.constant 0 : i32
    %dma_wait3A_66 = tpu.memref_slice %arg2[%add3A_36, %dma_wait3A_65] : memref<32768x256xf32, #tpu.memory_space<hbm>> -> memref<128x256xf32, #tpu.memory_space<hbm>>
    %dma_wait3A_67 = arith.constant 0 : i32
    %dma_wait3A_68 = tpu.memref_slice %arg2[%add3A_36, %dma_wait3A_67] : memref<32768x256xf32, #tpu.memory_space<hbm>> -> memref<128x256xf32, #tpu.memory_space<hbm>>
    tpu.wait_dma2 semaphore(%arg15 : memref<!tpu.dma_semaphore, #tpu.memory_space<semaphore_mem>>) src(%dma_wait3A_68 : memref<128x256xf32, #tpu.memory_space<hbm>>) dst(%arg12 : memref<128x256xf32, #tpu.memory_space<vmem>>)
    %dma_start3A_69 = arith.constant 2 : i32
    %dma_start3A_70 = arith.constant 0 : i32
    %dma_start3A_71 = tpu.memref_slice %arg7[%dma_start3A_69, %dma_start3A_70] : memref<8x128xi32, #tpu.memory_space<vmem>> -> memref<1x128xi32, #tpu.memory_space<vmem>>
    %dma_start3A_72 = tpu.memref_squeeze %dma_start3A_71 : memref<1x128xi32, #tpu.memory_space<vmem>> -> memref<128xi32, #tpu.memory_space<vmem>>
    %dma_start3A_73 = arith.constant 0 : i32
    %dma_start3A_74 = arith.constant 0 : i32
    %dma_start3A_75 = tpu.memref_slice %arg5[%dma_start3A_73, %dma_start3A_74] : memref<32768x256xf32, #tpu.memory_space<hbm>> -> memref<32768x256xf32, #tpu.memory_space<hbm>>
    tpu.enqueue_indirect_dma source(%arg12 : memref<128x256xf32, #tpu.memory_space<vmem>>) target(%dma_start3A_75 : memref<32768x256xf32, #tpu.memory_space<hbm>>) offsets(%dma_start3A_72 : memref<128xi32, #tpu.memory_space<vmem>>) semaphore(%arg18 : memref<!tpu.dma_semaphore, #tpu.memory_space<semaphore_mem>>)
    %dma_wait3A_76 = arith.constant 1 : i32
    %dma_wait3A_77 = arith.constant 0 : i32
    %dma_wait3A_78 = tpu.memref_slice %arg7[%dma_wait3A_76, %dma_wait3A_77] : memref<8x128xi32, #tpu.memory_space<vmem>> -> memref<1x128xi32, #tpu.memory_space<vmem>>
    %dma_wait3A_79 = tpu.memref_squeeze %dma_wait3A_78 : memref<1x128xi32, #tpu.memory_space<vmem>> -> memref<128xi32, #tpu.memory_space<vmem>>
    %dma_wait3A_80 = arith.constant 0 : i32
    %dma_wait3A_81 = arith.constant 0 : i32
    %dma_wait3A_82 = tpu.memref_slice %arg5[%dma_wait3A_80, %dma_wait3A_81] : memref<32768x256xf32, #tpu.memory_space<hbm>> -> memref<32768x256xf32, #tpu.memory_space<hbm>>
    tpu.wait_indirect_dma semaphore(%arg17 : memref<!tpu.dma_semaphore, #tpu.memory_space<semaphore_mem>>) src(%arg11 : memref<128x256xf32, #tpu.memory_space<vmem>>) dst(%dma_wait3A_82 : memref<32768x256xf32, #tpu.memory_space<hbm>>)
    %add3A_83 = arith.constant 512 : i32
    %add3A_84 = arith.addi %mul3A_2, %add3A_83 : i32
    %dma_start3A_85 = arith.constant 0 : i32
    %dma_start3A_86 = tpu.memref_slice %arg2[%add3A_84, %dma_start3A_85] : memref<32768x256xf32, #tpu.memory_space<hbm>> -> memref<128x256xf32, #tpu.memory_space<hbm>>
    %dma_start3A_87 = arith.constant 0 : i32
    %dma_start3A_88 = tpu.memref_slice %arg2[%add3A_84, %dma_start3A_87] : memref<32768x256xf32, #tpu.memory_space<hbm>> -> memref<128x256xf32, #tpu.memory_space<hbm>>
    tpu.enqueue_dma source(%dma_start3A_88 : memref<128x256xf32, #tpu.memory_space<hbm>>) target(%arg11 : memref<128x256xf32, #tpu.memory_space<vmem>>) target_semaphore(%arg14 : memref<!tpu.dma_semaphore, #tpu.memory_space<semaphore_mem>>)
    %dma_wait3A_89 = arith.constant 0 : i32
    %dma_wait3A_90 = tpu.memref_slice %arg2[%add3A_60, %dma_wait3A_89] : memref<32768x256xf32, #tpu.memory_space<hbm>> -> memref<128x256xf32, #tpu.memory_space<hbm>>
    %dma_wait3A_91 = arith.constant 0 : i32
    %dma_wait3A_92 = tpu.memref_slice %arg2[%add3A_60, %dma_wait3A_91] : memref<32768x256xf32, #tpu.memory_space<hbm>> -> memref<128x256xf32, #tpu.memory_space<hbm>>
    tpu.wait_dma2 semaphore(%arg13 : memref<!tpu.dma_semaphore, #tpu.memory_space<semaphore_mem>>) src(%dma_wait3A_92 : memref<128x256xf32, #tpu.memory_space<hbm>>) dst(%arg10 : memref<128x256xf32, #tpu.memory_space<vmem>>)
    %dma_start3A_93 = arith.constant 3 : i32
    %dma_start3A_94 = arith.constant 0 : i32
    %dma_start3A_95 = tpu.memref_slice %arg7[%dma_start3A_93, %dma_start3A_94] : memref<8x128xi32, #tpu.memory_space<vmem>> -> memref<1x128xi32, #tpu.memory_space<vmem>>
    %dma_start3A_96 = tpu.memref_squeeze %dma_start3A_95 : memref<1x128xi32, #tpu.memory_space<vmem>> -> memref<128xi32, #tpu.memory_space<vmem>>
    %dma_start3A_97 = arith.constant 0 : i32
    %dma_start3A_98 = arith.constant 0 : i32
    %dma_start3A_99 = tpu.memref_slice %arg5[%dma_start3A_97, %dma_start3A_98] : memref<32768x256xf32, #tpu.memory_space<hbm>> -> memref<32768x256xf32, #tpu.memory_space<hbm>>
    tpu.enqueue_indirect_dma source(%arg10 : memref<128x256xf32, #tpu.memory_space<vmem>>) target(%dma_start3A_99 : memref<32768x256xf32, #tpu.memory_space<hbm>>) offsets(%dma_start3A_96 : memref<128xi32, #tpu.memory_space<vmem>>) semaphore(%arg16 : memref<!tpu.dma_semaphore, #tpu.memory_space<semaphore_mem>>)
    %dma_wait3A_100 = arith.constant 2 : i32
    %dma_wait3A_101 = arith.constant 0 : i32
    %dma_wait3A_102 = tpu.memref_slice %arg7[%dma_wait3A_100, %dma_wait3A_101] : memref<8x128xi32, #tpu.memory_space<vmem>> -> memref<1x128xi32, #tpu.memory_space<vmem>>
    %dma_wait3A_103 = tpu.memref_squeeze %dma_wait3A_102 : memref<1x128xi32, #tpu.memory_space<vmem>> -> memref<128xi32, #tpu.memory_space<vmem>>
    %dma_wait3A_104 = arith.constant 0 : i32
    %dma_wait3A_105 = arith.constant 0 : i32
    %dma_wait3A_106 = tpu.memref_slice %arg5[%dma_wait3A_104, %dma_wait3A_105] : memref<32768x256xf32, #tpu.memory_space<hbm>> -> memref<32768x256xf32, #tpu.memory_space<hbm>>
    tpu.wait_indirect_dma semaphore(%arg18 : memref<!tpu.dma_semaphore, #tpu.memory_space<semaphore_mem>>) src(%arg12 : memref<128x256xf32, #tpu.memory_space<vmem>>) dst(%dma_wait3A_106 : memref<32768x256xf32, #tpu.memory_space<hbm>>)
    %add3A_107 = arith.constant 640 : i32
    %add3A_108 = arith.addi %mul3A_2, %add3A_107 : i32
    %dma_start3A_109 = arith.constant 0 : i32
    %dma_start3A_110 = tpu.memref_slice %arg2[%add3A_108, %dma_start3A_109] : memref<32768x256xf32, #tpu.memory_space<hbm>> -> memref<128x256xf32, #tpu.memory_space<hbm>>
    %dma_start3A_111 = arith.constant 0 : i32
    %dma_start3A_112 = tpu.memref_slice %arg2[%add3A_108, %dma_start3A_111] : memref<32768x256xf32, #tpu.memory_space<hbm>> -> memref<128x256xf32, #tpu.memory_space<hbm>>
    tpu.enqueue_dma source(%dma_start3A_112 : memref<128x256xf32, #tpu.memory_space<hbm>>) target(%arg12 : memref<128x256xf32, #tpu.memory_space<vmem>>) target_semaphore(%arg15 : memref<!tpu.dma_semaphore, #tpu.memory_space<semaphore_mem>>)
    %dma_wait3A_113 = arith.constant 0 : i32
    %dma_wait3A_114 = tpu.memref_slice %arg2[%add3A_84, %dma_wait3A_113] : memref<32768x256xf32, #tpu.memory_space<hbm>> -> memref<128x256xf32, #tpu.memory_space<hbm>>
    %dma_wait3A_115 = arith.constant 0 : i32
    %dma_wait3A_116 = tpu.memref_slice %arg2[%add3A_84, %dma_wait3A_115] : memref<32768x256xf32, #tpu.memory_space<hbm>> -> memref<128x256xf32, #tpu.memory_space<hbm>>
    tpu.wait_dma2 semaphore(%arg14 : memref<!tpu.dma_semaphore, #tpu.memory_space<semaphore_mem>>) src(%dma_wait3A_116 : memref<128x256xf32, #tpu.memory_space<hbm>>) dst(%arg11 : memref<128x256xf32, #tpu.memory_space<vmem>>)
    %dma_start3A_117 = arith.constant 4 : i32
    %dma_start3A_118 = arith.constant 0 : i32
    %dma_start3A_119 = tpu.memref_slice %arg7[%dma_start3A_117, %dma_start3A_118] : memref<8x128xi32, #tpu.memory_space<vmem>> -> memref<1x128xi32, #tpu.memory_space<vmem>>
    %dma_start3A_120 = tpu.memref_squeeze %dma_start3A_119 : memref<1x128xi32, #tpu.memory_space<vmem>> -> memref<128xi32, #tpu.memory_space<vmem>>
    %dma_start3A_121 = arith.constant 0 : i32
    %dma_start3A_122 = arith.constant 0 : i32
    %dma_start3A_123 = tpu.memref_slice %arg5[%dma_start3A_121, %dma_start3A_122] : memref<32768x256xf32, #tpu.memory_space<hbm>> -> memref<32768x256xf32, #tpu.memory_space<hbm>>
    tpu.enqueue_indirect_dma source(%arg11 : memref<128x256xf32, #tpu.memory_space<vmem>>) target(%dma_start3A_123 : memref<32768x256xf32, #tpu.memory_space<hbm>>) offsets(%dma_start3A_120 : memref<128xi32, #tpu.memory_space<vmem>>) semaphore(%arg17 : memref<!tpu.dma_semaphore, #tpu.memory_space<semaphore_mem>>)
    %dma_wait3A_124 = arith.constant 3 : i32
    %dma_wait3A_125 = arith.constant 0 : i32
    %dma_wait3A_126 = tpu.memref_slice %arg7[%dma_wait3A_124, %dma_wait3A_125] : memref<8x128xi32, #tpu.memory_space<vmem>> -> memref<1x128xi32, #tpu.memory_space<vmem>>
    %dma_wait3A_127 = tpu.memref_squeeze %dma_wait3A_126 : memref<1x128xi32, #tpu.memory_space<vmem>> -> memref<128xi32, #tpu.memory_space<vmem>>
    %dma_wait3A_128 = arith.constant 0 : i32
    %dma_wait3A_129 = arith.constant 0 : i32
    %dma_wait3A_130 = tpu.memref_slice %arg5[%dma_wait3A_128, %dma_wait3A_129] : memref<32768x256xf32, #tpu.memory_space<hbm>> -> memref<32768x256xf32, #tpu.memory_space<hbm>>
    tpu.wait_indirect_dma semaphore(%arg16 : memref<!tpu.dma_semaphore, #tpu.memory_space<semaphore_mem>>) src(%arg10 : memref<128x256xf32, #tpu.memory_space<vmem>>) dst(%dma_wait3A_130 : memref<32768x256xf32, #tpu.memory_space<hbm>>)
    %add3A_131 = arith.constant 768 : i32
    %add3A_132 = arith.addi %mul3A_2, %add3A_131 : i32
    %dma_start3A_133 = arith.constant 0 : i32
    %dma_start3A_134 = tpu.memref_slice %arg2[%add3A_132, %dma_start3A_133] : memref<32768x256xf32, #tpu.memory_space<hbm>> -> memref<128x256xf32, #tpu.memory_space<hbm>>
    %dma_start3A_135 = arith.constant 0 : i32
    %dma_start3A_136 = tpu.memref_slice %arg2[%add3A_132, %dma_start3A_135] : memref<32768x256xf32, #tpu.memory_space<hbm>> -> memref<128x256xf32, #tpu.memory_space<hbm>>
    tpu.enqueue_dma source(%dma_start3A_136 : memref<128x256xf32, #tpu.memory_space<hbm>>) target(%arg10 : memref<128x256xf32, #tpu.memory_space<vmem>>) target_semaphore(%arg13 : memref<!tpu.dma_semaphore, #tpu.memory_space<semaphore_mem>>)
    %dma_wait3A_137 = arith.constant 0 : i32
    %dma_wait3A_138 = tpu.memref_slice %arg2[%add3A_108, %dma_wait3A_137] : memref<32768x256xf32, #tpu.memory_space<hbm>> -> memref<128x256xf32, #tpu.memory_space<hbm>>
    %dma_wait3A_139 = arith.constant 0 : i32
    %dma_wait3A_140 = tpu.memref_slice %arg2[%add3A_108, %dma_wait3A_139] : memref<32768x256xf32, #tpu.memory_space<hbm>> -> memref<128x256xf32, #tpu.memory_space<hbm>>
    tpu.wait_dma2 semaphore(%arg15 : memref<!tpu.dma_semaphore, #tpu.memory_space<semaphore_mem>>) src(%dma_wait3A_140 : memref<128x256xf32, #tpu.memory_space<hbm>>) dst(%arg12 : memref<128x256xf32, #tpu.memory_space<vmem>>)
    %dma_start3A_141 = arith.constant 5 : i32
    %dma_start3A_142 = arith.constant 0 : i32
    %dma_start3A_143 = tpu.memref_slice %arg7[%dma_start3A_141, %dma_start3A_142] : memref<8x128xi32, #tpu.memory_space<vmem>> -> memref<1x128xi32, #tpu.memory_space<vmem>>
    %dma_start3A_144 = tpu.memref_squeeze %dma_start3A_143 : memref<1x128xi32, #tpu.memory_space<vmem>> -> memref<128xi32, #tpu.memory_space<vmem>>
    %dma_start3A_145 = arith.constant 0 : i32
    %dma_start3A_146 = arith.constant 0 : i32
    %dma_start3A_147 = tpu.memref_slice %arg5[%dma_start3A_145, %dma_start3A_146] : memref<32768x256xf32, #tpu.memory_space<hbm>> -> memref<32768x256xf32, #tpu.memory_space<hbm>>
    tpu.enqueue_indirect_dma source(%arg12 : memref<128x256xf32, #tpu.memory_space<vmem>>) target(%dma_start3A_147 : memref<32768x256xf32, #tpu.memory_space<hbm>>) offsets(%dma_start3A_144 : memref<128xi32, #tpu.memory_space<vmem>>) semaphore(%arg18 : memref<!tpu.dma_semaphore, #tpu.memory_space<semaphore_mem>>)
    %dma_wait3A_148 = arith.constant 4 : i32
    %dma_wait3A_149 = arith.constant 0 : i32
    %dma_wait3A_150 = tpu.memref_slice %arg7[%dma_wait3A_148, %dma_wait3A_149] : memref<8x128xi32, #tpu.memory_space<vmem>> -> memref<1x128xi32, #tpu.memory_space<vmem>>
    %dma_wait3A_151 = tpu.memref_squeeze %dma_wait3A_150 : memref<1x128xi32, #tpu.memory_space<vmem>> -> memref<128xi32, #tpu.memory_space<vmem>>
    %dma_wait3A_152 = arith.constant 0 : i32
    %dma_wait3A_153 = arith.constant 0 : i32
    %dma_wait3A_154 = tpu.memref_slice %arg5[%dma_wait3A_152, %dma_wait3A_153] : memref<32768x256xf32, #tpu.memory_space<hbm>> -> memref<32768x256xf32, #tpu.memory_space<hbm>>
    tpu.wait_indirect_dma semaphore(%arg17 : memref<!tpu.dma_semaphore, #tpu.memory_space<semaphore_mem>>) src(%arg11 : memref<128x256xf32, #tpu.memory_space<vmem>>) dst(%dma_wait3A_154 : memref<32768x256xf32, #tpu.memory_space<hbm>>)
    %add3A_155 = arith.constant 896 : i32
    %add3A_156 = arith.addi %mul3A_2, %add3A_155 : i32
    %dma_start3A_157 = arith.constant 0 : i32
    %dma_start3A_158 = tpu.memref_slice %arg2[%add3A_156, %dma_start3A_157] : memref<32768x256xf32, #tpu.memory_space<hbm>> -> memref<128x256xf32, #tpu.memory_space<hbm>>
    %dma_start3A_159 = arith.constant 0 : i32
    %dma_start3A_160 = tpu.memref_slice %arg2[%add3A_156, %dma_start3A_159] : memref<32768x256xf32, #tpu.memory_space<hbm>> -> memref<128x256xf32, #tpu.memory_space<hbm>>
    tpu.enqueue_dma source(%dma_start3A_160 : memref<128x256xf32, #tpu.memory_space<hbm>>) target(%arg11 : memref<128x256xf32, #tpu.memory_space<vmem>>) target_semaphore(%arg14 : memref<!tpu.dma_semaphore, #tpu.memory_space<semaphore_mem>>)
    %dma_wait3A_161 = arith.constant 0 : i32
    %dma_wait3A_162 = tpu.memref_slice %arg2[%add3A_132, %dma_wait3A_161] : memref<32768x256xf32, #tpu.memory_space<hbm>> -> memref<128x256xf32, #tpu.memory_space<hbm>>
    %dma_wait3A_163 = arith.constant 0 : i32
    %dma_wait3A_164 = tpu.memref_slice %arg2[%add3A_132, %dma_wait3A_163] : memref<32768x256xf32, #tpu.memory_space<hbm>> -> memref<128x256xf32, #tpu.memory_space<hbm>>
    tpu.wait_dma2 semaphore(%arg13 : memref<!tpu.dma_semaphore, #tpu.memory_space<semaphore_mem>>) src(%dma_wait3A_164 : memref<128x256xf32, #tpu.memory_space<hbm>>) dst(%arg10 : memref<128x256xf32, #tpu.memory_space<vmem>>)
    %dma_start3A_165 = arith.constant 6 : i32
    %dma_start3A_166 = arith.constant 0 : i32
    %dma_start3A_167 = tpu.memref_slice %arg7[%dma_start3A_165, %dma_start3A_166] : memref<8x128xi32, #tpu.memory_space<vmem>> -> memref<1x128xi32, #tpu.memory_space<vmem>>
    %dma_start3A_168 = tpu.memref_squeeze %dma_start3A_167 : memref<1x128xi32, #tpu.memory_space<vmem>> -> memref<128xi32, #tpu.memory_space<vmem>>
    %dma_start3A_169 = arith.constant 0 : i32
    %dma_start3A_170 = arith.constant 0 : i32
    %dma_start3A_171 = tpu.memref_slice %arg5[%dma_start3A_169, %dma_start3A_170] : memref<32768x256xf32, #tpu.memory_space<hbm>> -> memref<32768x256xf32, #tpu.memory_space<hbm>>
    tpu.enqueue_indirect_dma source(%arg10 : memref<128x256xf32, #tpu.memory_space<vmem>>) target(%dma_start3A_171 : memref<32768x256xf32, #tpu.memory_space<hbm>>) offsets(%dma_start3A_168 : memref<128xi32, #tpu.memory_space<vmem>>) semaphore(%arg16 : memref<!tpu.dma_semaphore, #tpu.memory_space<semaphore_mem>>)
    %dma_wait3A_172 = arith.constant 0 : i32
    %dma_wait3A_173 = tpu.memref_slice %arg2[%add3A_156, %dma_wait3A_172] : memref<32768x256xf32, #tpu.memory_space<hbm>> -> memref<128x256xf32, #tpu.memory_space<hbm>>
    %dma_wait3A_174 = arith.constant 0 : i32
    %dma_wait3A_175 = tpu.memref_slice %arg2[%add3A_156, %dma_wait3A_174] : memref<32768x256xf32, #tpu.memory_space<hbm>> -> memref<128x256xf32, #tpu.memory_space<hbm>>
    tpu.wait_dma2 semaphore(%arg14 : memref<!tpu.dma_semaphore, #tpu.memory_space<semaphore_mem>>) src(%dma_wait3A_175 : memref<128x256xf32, #tpu.memory_space<hbm>>) dst(%arg11 : memref<128x256xf32, #tpu.memory_space<vmem>>)
    %dma_start3A_176 = arith.constant 7 : i32
    %dma_start3A_177 = arith.constant 0 : i32
    %dma_start3A_178 = tpu.memref_slice %arg7[%dma_start3A_176, %dma_start3A_177] : memref<8x128xi32, #tpu.memory_space<vmem>> -> memref<1x128xi32, #tpu.memory_space<vmem>>
    %dma_start3A_179 = tpu.memref_squeeze %dma_start3A_178 : memref<1x128xi32, #tpu.memory_space<vmem>> -> memref<128xi32, #tpu.memory_space<vmem>>
    %dma_start3A_180 = arith.constant 0 : i32
    %dma_start3A_181 = arith.constant 0 : i32
    %dma_start3A_182 = tpu.memref_slice %arg5[%dma_start3A_180, %dma_start3A_181] : memref<32768x256xf32, #tpu.memory_space<hbm>> -> memref<32768x256xf32, #tpu.memory_space<hbm>>
    tpu.enqueue_indirect_dma source(%arg11 : memref<128x256xf32, #tpu.memory_space<vmem>>) target(%dma_start3A_182 : memref<32768x256xf32, #tpu.memory_space<hbm>>) offsets(%dma_start3A_179 : memref<128xi32, #tpu.memory_space<vmem>>) semaphore(%arg17 : memref<!tpu.dma_semaphore, #tpu.memory_space<semaphore_mem>>)
    %dma_wait3A_183 = arith.constant 5 : i32
    %dma_wait3A_184 = arith.constant 0 : i32
    %dma_wait3A_185 = tpu.memref_slice %arg7[%dma_wait3A_183, %dma_wait3A_184] : memref<8x128xi32, #tpu.memory_space<vmem>> -> memref<1x128xi32, #tpu.memory_space<vmem>>
    %dma_wait3A_186 = tpu.memref_squeeze %dma_wait3A_185 : memref<1x128xi32, #tpu.memory_space<vmem>> -> memref<128xi32, #tpu.memory_space<vmem>>
    %dma_wait3A_187 = arith.constant 0 : i32
    %dma_wait3A_188 = arith.constant 0 : i32
    %dma_wait3A_189 = tpu.memref_slice %arg5[%dma_wait3A_187, %dma_wait3A_188] : memref<32768x256xf32, #tpu.memory_space<hbm>> -> memref<32768x256xf32, #tpu.memory_space<hbm>>
    tpu.wait_indirect_dma semaphore(%arg18 : memref<!tpu.dma_semaphore, #tpu.memory_space<semaphore_mem>>) src(%arg12 : memref<128x256xf32, #tpu.memory_space<vmem>>) dst(%dma_wait3A_189 : memref<32768x256xf32, #tpu.memory_space<hbm>>)
    %dma_wait3A_190 = arith.constant 6 : i32
    %dma_wait3A_191 = arith.constant 0 : i32
    %dma_wait3A_192 = tpu.memref_slice %arg7[%dma_wait3A_190, %dma_wait3A_191] : memref<8x128xi32, #tpu.memory_space<vmem>> -> memref<1x128xi32, #tpu.memory_space<vmem>>
    %dma_wait3A_193 = tpu.memref_squeeze %dma_wait3A_192 : memref<1x128xi32, #tpu.memory_space<vmem>> -> memref<128xi32, #tpu.memory_space<vmem>>
    %dma_wait3A_194 = arith.constant 0 : i32
    %dma_wait3A_195 = arith.constant 0 : i32
    %dma_wait3A_196 = tpu.memref_slice %arg5[%dma_wait3A_194, %dma_wait3A_195] : memref<32768x256xf32, #tpu.memory_space<hbm>> -> memref<32768x256xf32, #tpu.memory_space<hbm>>
    tpu.wait_indirect_dma semaphore(%arg16 : memref<!tpu.dma_semaphore, #tpu.memory_space<semaphore_mem>>) src(%arg10 : memref<128x256xf32, #tpu.memory_space<vmem>>) dst(%dma_wait3A_196 : memref<32768x256xf32, #tpu.memory_space<hbm>>)
    %dma_wait3A_197 = arith.constant 7 : i32
    %dma_wait3A_198 = arith.constant 0 : i32
    %dma_wait3A_199 = tpu.memref_slice %arg7[%dma_wait3A_197, %dma_wait3A_198] : memref<8x128xi32, #tpu.memory_space<vmem>> -> memref<1x128xi32, #tpu.memory_space<vmem>>
    %dma_wait3A_200 = tpu.memref_squeeze %dma_wait3A_199 : memref<1x128xi32, #tpu.memory_space<vmem>> -> memref<128xi32, #tpu.memory_space<vmem>>
    %dma_wait3A_201 = arith.constant 0 : i32
    %dma_wait3A_202 = arith.constant 0 : i32
    %dma_wait3A_203 = tpu.memref_slice %arg5[%dma_wait3A_201, %dma_wait3A_202] : memref<32768x256xf32, #tpu.memory_space<hbm>> -> memref<32768x256xf32, #tpu.memory_space<hbm>>
    tpu.wait_indirect_dma semaphore(%arg17 : memref<!tpu.dma_semaphore, #tpu.memory_space<semaphore_mem>>) src(%arg11 : memref<128x256xf32, #tpu.memory_space<vmem>>) dst(%dma_wait3A_203 : memref<32768x256xf32, #tpu.memory_space<hbm>>)
    %dma_wait3A_204 = arith.constant 0 : i32
    %dma_wait3A_205 = arith.constant 0 : i32
    %dma_wait3A_206 = tpu.memref_slice %arg8[%dma_wait3A_204, %dma_wait3A_205] : memref<1x128xi32, #tpu.memory_space<vmem>> -> memref<1x128xi32, #tpu.memory_space<vmem>>
    %dma_wait3A_207 = tpu.memref_squeeze %dma_wait3A_206 : memref<1x128xi32, #tpu.memory_space<vmem>> -> memref<128xi32, #tpu.memory_space<vmem>>
    %dma_wait3A_208 = arith.constant 0 : i32
    %dma_wait3A_209 = arith.constant 0 : i32
    %dma_wait3A_210 = tpu.memref_slice %arg6[%dma_wait3A_208, %dma_wait3A_209] : memref<4096x128xf32, #tpu.memory_space<hbm>> -> memref<4096x128xf32, #tpu.memory_space<hbm>>
    tpu.wait_indirect_dma semaphore(%arg19 : memref<!tpu.dma_semaphore, #tpu.memory_space<semaphore_mem>>) src(%arg9 : memref<128x128xf32, #tpu.memory_space<vmem>>) dst(%dma_wait3A_210 : memref<4096x128xf32, #tpu.memory_space<hbm>>)
    return
  }
}

module attributes {stable_mosaic.version = 14 : i64} {
  func.func @_rank_body(%arg0: i32, %arg1: memref<1x512xf32, #tpu.memory_space<vmem>>, %arg2: memref<8x512xf32, #tpu.memory_space<vmem>>, %arg3: memref<4096x1xf32, #tpu.memory_space<vmem>>, %arg4: memref<8x512xi32, #tpu.memory_space<vmem>>, %arg5: memref<512x128xf32, #tpu.memory_space<vmem>>, %arg6: memref<8x512xi32, #tpu.memory_space<vmem>>) attributes {dimension_semantics = [#tpu.dimension_semantics<arbitrary>], iteration_bounds = array<i64: 8>, scalar_prefetch = 0 : i64, scratch_operands = 1 : i64, tpu.core_type = #tpu.core_type<tc>, window_params = [{transform_indices = @transform_0, window_bounds = array<i64: 1, 512>}, {transform_indices = @transform_1, window_bounds = array<i64: 8, 512>}, {pipeline_mode = #tpu.pipeline_mode<synchronous>, transform_indices = @transform_2, window_bounds = array<i64: 4096, 1>}, {transform_indices = @transform_3, window_bounds = array<i64: 8, 512>}, {transform_indices = @transform_4, window_bounds = array<i64: 512, 128>}]} {
    %get3A = arith.constant 0 : index
    %get3A_0 = arith.constant 0 : index
    %get3A_1 = vector.load %arg1[%get3A, %get3A_0] : memref<1x512xf32, #tpu.memory_space<vmem>>, vector<1x512xf32>
    %get3A_2 = arith.constant 0 : index
    %get3A_3 = arith.constant 0 : index
    %get3A_4 = vector.load %arg3[%get3A_2, %get3A_3] : memref<4096x1xf32, #tpu.memory_space<vmem>>, vector<512x1xf32>
    %gt3A = arith.constant 0 : i32
    %gt3A_5 = arith.cmpi sgt, %arg0, %gt3A : i32
    %convert_element_type3A = arith.extui %gt3A_5 : i1 to i32
    %cond3A = arith.constant 0 : i32
    %cond3A_6 = arith.cmpi ne, %convert_element_type3A, %cond3A : i32
    scf.if %cond3A_6 {
      %le3A = vector.broadcast %get3A_4 : vector<512x1xf32> to vector<512x512xf32>
      %le3A_159 = vector.broadcast %get3A_1 : vector<1x512xf32> to vector<512x512xf32>
      %le3A_160 = arith.cmpf ole, %le3A, %le3A_159 : vector<512x512xf32>
      %convert_element_type3A_161 = arith.extui %le3A_160 : vector<512x512xi1> to vector<512x512xi32>
      %reduce_sum3A_162 = arith.constant dense<0> : vector<512xi32>
      %reduce_sum3A_163 = vector.multi_reduction <add>, %convert_element_type3A_161, %reduce_sum3A_162 [0] : vector<512x512xi32> to vector<512xi32>
      %broadcast_in_dim3A_164 = vector.shape_cast %reduce_sum3A_163 : vector<512xi32> to vector<1x512xi32>
      %swap3A_165 = arith.constant 0 : index
      %swap3A_166 = arith.constant 0 : index
      %swap3A_167 = vector.load %arg6[%swap3A_165, %swap3A_166] : memref<8x512xi32, #tpu.memory_space<vmem>>, vector<1x512xi32>
      tpu.vector_store %arg6[%swap3A_165, %swap3A_166], %broadcast_in_dim3A_164 {strides = array<i32>} : memref<8x512xi32, #tpu.memory_space<vmem>>, vector<1x512xi32>,
    } else {
    }
    %lt3A = arith.constant 0 : i32
    %lt3A_7 = arith.cmpi slt, %arg0, %lt3A : i32
    %convert_element_type3A_8 = arith.extui %lt3A_7 : i1 to i32
    %cond3A_9 = arith.constant 0 : i32
    %cond3A_10 = arith.cmpi ne, %convert_element_type3A_8, %cond3A_9 : i32
    scf.if %cond3A_10 {
      %lt3A_159 = vector.broadcast %get3A_4 : vector<512x1xf32> to vector<512x512xf32>
      %lt3A_160 = vector.broadcast %get3A_1 : vector<1x512xf32> to vector<512x512xf32>
      %lt3A_161 = arith.cmpf olt, %lt3A_159, %lt3A_160 : vector<512x512xf32>
      %convert_element_type3A_162 = arith.extui %lt3A_161 : vector<512x512xi1> to vector<512x512xi32>
      %reduce_sum3A_163 = arith.constant dense<0> : vector<512xi32>
      %reduce_sum3A_164 = vector.multi_reduction <add>, %convert_element_type3A_162, %reduce_sum3A_163 [0] : vector<512x512xi32> to vector<512xi32>
      %broadcast_in_dim3A_165 = vector.shape_cast %reduce_sum3A_164 : vector<512xi32> to vector<1x512xi32>
      %swap3A_166 = arith.constant 0 : index
      %swap3A_167 = arith.constant 0 : index
      %swap3A_168 = vector.load %arg6[%swap3A_166, %swap3A_167] : memref<8x512xi32, #tpu.memory_space<vmem>>, vector<1x512xi32>
      tpu.vector_store %arg6[%swap3A_166, %swap3A_167], %broadcast_in_dim3A_165 {strides = array<i32>} : memref<8x512xi32, #tpu.memory_space<vmem>>, vector<1x512xi32>,
    } else {
    }
    %eq3A = arith.constant 0 : i32
    %eq3A_11 = arith.cmpi eq, %arg0, %eq3A : i32
    %convert_element_type3A_12 = arith.extui %eq3A_11 : i1 to i32
    %cond3A_13 = arith.constant 0 : i32
    %cond3A_14 = arith.cmpi ne, %convert_element_type3A_12, %cond3A_13 : i32
    scf.if %cond3A_14 {
      %iota3A_159 = tpu.iota {dimensions = array<i32: 0>} : vector<512x512xi32>
      %iota3A_160 = tpu.iota {dimensions = array<i32: 1>} : vector<512x512xi32>
      %lt3A_161 = arith.cmpi slt, %iota3A_159, %iota3A_160 : vector<512x512xi32>
      %lt3A_162 = vector.broadcast %get3A_4 : vector<512x1xf32> to vector<512x512xf32>
      %lt3A_163 = vector.broadcast %get3A_1 : vector<1x512xf32> to vector<512x512xf32>
      %lt3A_164 = arith.cmpf olt, %lt3A_162, %lt3A_163 : vector<512x512xf32>
      %eq3A_165 = vector.broadcast %get3A_4 : vector<512x1xf32> to vector<512x512xf32>
      %eq3A_166 = vector.broadcast %get3A_1 : vector<1x512xf32> to vector<512x512xf32>
      %eq3A_167 = arith.cmpf oeq, %eq3A_165, %eq3A_166 : vector<512x512xf32>
      %and3A = arith.andi %eq3A_167, %lt3A_161 : vector<512x512xi1>
      %or3A = arith.ori %lt3A_164, %and3A : vector<512x512xi1>
      %convert_element_type3A_168 = arith.extui %or3A : vector<512x512xi1> to vector<512x512xi32>
      %reduce_sum3A_169 = arith.constant dense<0> : vector<512xi32>
      %reduce_sum3A_170 = vector.multi_reduction <add>, %convert_element_type3A_168, %reduce_sum3A_169 [0] : vector<512x512xi32> to vector<512xi32>
      %broadcast_in_dim3A_171 = vector.shape_cast %reduce_sum3A_170 : vector<512xi32> to vector<1x512xi32>
      %swap3A_172 = arith.constant 0 : index
      %swap3A_173 = arith.constant 0 : index
      %swap3A_174 = vector.load %arg6[%swap3A_172, %swap3A_173] : memref<8x512xi32, #tpu.memory_space<vmem>>, vector<1x512xi32>
      tpu.vector_store %arg6[%swap3A_172, %swap3A_173], %broadcast_in_dim3A_171 {strides = array<i32>} : memref<8x512xi32, #tpu.memory_space<vmem>>, vector<1x512xi32>,
    } else {
    }
    %get3A_15 = arith.constant 512 : index
    %get3A_16 = arith.constant 0 : index
    %get3A_17 = vector.load %arg3[%get3A_15, %get3A_16] : memref<4096x1xf32, #tpu.memory_space<vmem>>, vector<512x1xf32>
    %gt3A_18 = arith.constant 1 : i32
    %gt3A_19 = arith.cmpi sgt, %arg0, %gt3A_18 : i32
    %convert_element_type3A_20 = arith.extui %gt3A_19 : i1 to i32
    %cond3A_21 = arith.constant 0 : i32
    %cond3A_22 = arith.cmpi ne, %convert_element_type3A_20, %cond3A_21 : i32
    scf.if %cond3A_22 {
      %le3A = vector.broadcast %get3A_17 : vector<512x1xf32> to vector<512x512xf32>
      %le3A_159 = vector.broadcast %get3A_1 : vector<1x512xf32> to vector<512x512xf32>
      %le3A_160 = arith.cmpf ole, %le3A, %le3A_159 : vector<512x512xf32>
      %convert_element_type3A_161 = arith.extui %le3A_160 : vector<512x512xi1> to vector<512x512xi32>
      %reduce_sum3A_162 = arith.constant dense<0> : vector<512xi32>
      %reduce_sum3A_163 = vector.multi_reduction <add>, %convert_element_type3A_161, %reduce_sum3A_162 [0] : vector<512x512xi32> to vector<512xi32>
      %broadcast_in_dim3A_164 = vector.shape_cast %reduce_sum3A_163 : vector<512xi32> to vector<1x512xi32>
      %swap3A_165 = arith.constant 1 : index
      %swap3A_166 = arith.constant 0 : index
      %swap3A_167 = vector.load %arg6[%swap3A_165, %swap3A_166] : memref<8x512xi32, #tpu.memory_space<vmem>>, vector<1x512xi32>
      tpu.vector_store %arg6[%swap3A_165, %swap3A_166], %broadcast_in_dim3A_164 {strides = array<i32>} : memref<8x512xi32, #tpu.memory_space<vmem>>, vector<1x512xi32>,
    } else {
    }
    %lt3A_23 = arith.constant 1 : i32
    %lt3A_24 = arith.cmpi slt, %arg0, %lt3A_23 : i32
    %convert_element_type3A_25 = arith.extui %lt3A_24 : i1 to i32
    %cond3A_26 = arith.constant 0 : i32
    %cond3A_27 = arith.cmpi ne, %convert_element_type3A_25, %cond3A_26 : i32
    scf.if %cond3A_27 {
      %lt3A_159 = vector.broadcast %get3A_17 : vector<512x1xf32> to vector<512x512xf32>
      %lt3A_160 = vector.broadcast %get3A_1 : vector<1x512xf32> to vector<512x512xf32>
      %lt3A_161 = arith.cmpf olt, %lt3A_159, %lt3A_160 : vector<512x512xf32>
      %convert_element_type3A_162 = arith.extui %lt3A_161 : vector<512x512xi1> to vector<512x512xi32>
      %reduce_sum3A_163 = arith.constant dense<0> : vector<512xi32>
      %reduce_sum3A_164 = vector.multi_reduction <add>, %convert_element_type3A_162, %reduce_sum3A_163 [0] : vector<512x512xi32> to vector<512xi32>
      %broadcast_in_dim3A_165 = vector.shape_cast %reduce_sum3A_164 : vector<512xi32> to vector<1x512xi32>
      %swap3A_166 = arith.constant 1 : index
      %swap3A_167 = arith.constant 0 : index
      %swap3A_168 = vector.load %arg6[%swap3A_166, %swap3A_167] : memref<8x512xi32, #tpu.memory_space<vmem>>, vector<1x512xi32>
      tpu.vector_store %arg6[%swap3A_166, %swap3A_167], %broadcast_in_dim3A_165 {strides = array<i32>} : memref<8x512xi32, #tpu.memory_space<vmem>>, vector<1x512xi32>,
    } else {
    }
    %eq3A_28 = arith.constant 1 : i32
    %eq3A_29 = arith.cmpi eq, %arg0, %eq3A_28 : i32
    %convert_element_type3A_30 = arith.extui %eq3A_29 : i1 to i32
    %cond3A_31 = arith.constant 0 : i32
    %cond3A_32 = arith.cmpi ne, %convert_element_type3A_30, %cond3A_31 : i32
    scf.if %cond3A_32 {
      %iota3A_159 = tpu.iota {dimensions = array<i32: 0>} : vector<512x512xi32>
      %iota3A_160 = tpu.iota {dimensions = array<i32: 1>} : vector<512x512xi32>
      %lt3A_161 = arith.cmpi slt, %iota3A_159, %iota3A_160 : vector<512x512xi32>
      %lt3A_162 = vector.broadcast %get3A_17 : vector<512x1xf32> to vector<512x512xf32>
      %lt3A_163 = vector.broadcast %get3A_1 : vector<1x512xf32> to vector<512x512xf32>
      %lt3A_164 = arith.cmpf olt, %lt3A_162, %lt3A_163 : vector<512x512xf32>
      %eq3A_165 = vector.broadcast %get3A_17 : vector<512x1xf32> to vector<512x512xf32>
      %eq3A_166 = vector.broadcast %get3A_1 : vector<1x512xf32> to vector<512x512xf32>
      %eq3A_167 = arith.cmpf oeq, %eq3A_165, %eq3A_166 : vector<512x512xf32>
      %and3A = arith.andi %eq3A_167, %lt3A_161 : vector<512x512xi1>
      %or3A = arith.ori %lt3A_164, %and3A : vector<512x512xi1>
      %convert_element_type3A_168 = arith.extui %or3A : vector<512x512xi1> to vector<512x512xi32>
      %reduce_sum3A_169 = arith.constant dense<0> : vector<512xi32>
      %reduce_sum3A_170 = vector.multi_reduction <add>, %convert_element_type3A_168, %reduce_sum3A_169 [0] : vector<512x512xi32> to vector<512xi32>
      %broadcast_in_dim3A_171 = vector.shape_cast %reduce_sum3A_170 : vector<512xi32> to vector<1x512xi32>
      %swap3A_172 = arith.constant 1 : index
      %swap3A_173 = arith.constant 0 : index
      %swap3A_174 = vector.load %arg6[%swap3A_172, %swap3A_173] : memref<8x512xi32, #tpu.memory_space<vmem>>, vector<1x512xi32>
      tpu.vector_store %arg6[%swap3A_172, %swap3A_173], %broadcast_in_dim3A_171 {strides = array<i32>} : memref<8x512xi32, #tpu.memory_space<vmem>>, vector<1x512xi32>,
    } else {
    }
    %get3A_33 = arith.constant 1024 : index
    %get3A_34 = arith.constant 0 : index
    %get3A_35 = vector.load %arg3[%get3A_33, %get3A_34] : memref<4096x1xf32, #tpu.memory_space<vmem>>, vector<512x1xf32>
    %gt3A_36 = arith.constant 2 : i32
    %gt3A_37 = arith.cmpi sgt, %arg0, %gt3A_36 : i32
    %convert_element_type3A_38 = arith.extui %gt3A_37 : i1 to i32
    %cond3A_39 = arith.constant 0 : i32
    %cond3A_40 = arith.cmpi ne, %convert_element_type3A_38, %cond3A_39 : i32
    scf.if %cond3A_40 {
      %le3A = vector.broadcast %get3A_35 : vector<512x1xf32> to vector<512x512xf32>
      %le3A_159 = vector.broadcast %get3A_1 : vector<1x512xf32> to vector<512x512xf32>
      %le3A_160 = arith.cmpf ole, %le3A, %le3A_159 : vector<512x512xf32>
      %convert_element_type3A_161 = arith.extui %le3A_160 : vector<512x512xi1> to vector<512x512xi32>
      %reduce_sum3A_162 = arith.constant dense<0> : vector<512xi32>
      %reduce_sum3A_163 = vector.multi_reduction <add>, %convert_element_type3A_161, %reduce_sum3A_162 [0] : vector<512x512xi32> to vector<512xi32>
      %broadcast_in_dim3A_164 = vector.shape_cast %reduce_sum3A_163 : vector<512xi32> to vector<1x512xi32>
      %swap3A_165 = arith.constant 2 : index
      %swap3A_166 = arith.constant 0 : index
      %swap3A_167 = vector.load %arg6[%swap3A_165, %swap3A_166] : memref<8x512xi32, #tpu.memory_space<vmem>>, vector<1x512xi32>
      tpu.vector_store %arg6[%swap3A_165, %swap3A_166], %broadcast_in_dim3A_164 {strides = array<i32>} : memref<8x512xi32, #tpu.memory_space<vmem>>, vector<1x512xi32>,
    } else {
    }
    %lt3A_41 = arith.constant 2 : i32
    %lt3A_42 = arith.cmpi slt, %arg0, %lt3A_41 : i32
    %convert_element_type3A_43 = arith.extui %lt3A_42 : i1 to i32
    %cond3A_44 = arith.constant 0 : i32
    %cond3A_45 = arith.cmpi ne, %convert_element_type3A_43, %cond3A_44 : i32
    scf.if %cond3A_45 {
      %lt3A_159 = vector.broadcast %get3A_35 : vector<512x1xf32> to vector<512x512xf32>
      %lt3A_160 = vector.broadcast %get3A_1 : vector<1x512xf32> to vector<512x512xf32>
      %lt3A_161 = arith.cmpf olt, %lt3A_159, %lt3A_160 : vector<512x512xf32>
      %convert_element_type3A_162 = arith.extui %lt3A_161 : vector<512x512xi1> to vector<512x512xi32>
      %reduce_sum3A_163 = arith.constant dense<0> : vector<512xi32>
      %reduce_sum3A_164 = vector.multi_reduction <add>, %convert_element_type3A_162, %reduce_sum3A_163 [0] : vector<512x512xi32> to vector<512xi32>
      %broadcast_in_dim3A_165 = vector.shape_cast %reduce_sum3A_164 : vector<512xi32> to vector<1x512xi32>
      %swap3A_166 = arith.constant 2 : index
      %swap3A_167 = arith.constant 0 : index
      %swap3A_168 = vector.load %arg6[%swap3A_166, %swap3A_167] : memref<8x512xi32, #tpu.memory_space<vmem>>, vector<1x512xi32>
      tpu.vector_store %arg6[%swap3A_166, %swap3A_167], %broadcast_in_dim3A_165 {strides = array<i32>} : memref<8x512xi32, #tpu.memory_space<vmem>>, vector<1x512xi32>,
    } else {
    }
    %eq3A_46 = arith.constant 2 : i32
    %eq3A_47 = arith.cmpi eq, %arg0, %eq3A_46 : i32
    %convert_element_type3A_48 = arith.extui %eq3A_47 : i1 to i32
    %cond3A_49 = arith.constant 0 : i32
    %cond3A_50 = arith.cmpi ne, %convert_element_type3A_48, %cond3A_49 : i32
    scf.if %cond3A_50 {
      %iota3A_159 = tpu.iota {dimensions = array<i32: 0>} : vector<512x512xi32>
      %iota3A_160 = tpu.iota {dimensions = array<i32: 1>} : vector<512x512xi32>
      %lt3A_161 = arith.cmpi slt, %iota3A_159, %iota3A_160 : vector<512x512xi32>
      %lt3A_162 = vector.broadcast %get3A_35 : vector<512x1xf32> to vector<512x512xf32>
      %lt3A_163 = vector.broadcast %get3A_1 : vector<1x512xf32> to vector<512x512xf32>
      %lt3A_164 = arith.cmpf olt, %lt3A_162, %lt3A_163 : vector<512x512xf32>
      %eq3A_165 = vector.broadcast %get3A_35 : vector<512x1xf32> to vector<512x512xf32>
      %eq3A_166 = vector.broadcast %get3A_1 : vector<1x512xf32> to vector<512x512xf32>
      %eq3A_167 = arith.cmpf oeq, %eq3A_165, %eq3A_166 : vector<512x512xf32>
      %and3A = arith.andi %eq3A_167, %lt3A_161 : vector<512x512xi1>
      %or3A = arith.ori %lt3A_164, %and3A : vector<512x512xi1>
      %convert_element_type3A_168 = arith.extui %or3A : vector<512x512xi1> to vector<512x512xi32>
      %reduce_sum3A_169 = arith.constant dense<0> : vector<512xi32>
      %reduce_sum3A_170 = vector.multi_reduction <add>, %convert_element_type3A_168, %reduce_sum3A_169 [0] : vector<512x512xi32> to vector<512xi32>
      %broadcast_in_dim3A_171 = vector.shape_cast %reduce_sum3A_170 : vector<512xi32> to vector<1x512xi32>
      %swap3A_172 = arith.constant 2 : index
      %swap3A_173 = arith.constant 0 : index
      %swap3A_174 = vector.load %arg6[%swap3A_172, %swap3A_173] : memref<8x512xi32, #tpu.memory_space<vmem>>, vector<1x512xi32>
      tpu.vector_store %arg6[%swap3A_172, %swap3A_173], %broadcast_in_dim3A_171 {strides = array<i32>} : memref<8x512xi32, #tpu.memory_space<vmem>>, vector<1x512xi32>,
    } else {
    }
    %get3A_51 = arith.constant 1536 : index
    %get3A_52 = arith.constant 0 : index
    %get3A_53 = vector.load %arg3[%get3A_51, %get3A_52] : memref<4096x1xf32, #tpu.memory_space<vmem>>, vector<512x1xf32>
    %gt3A_54 = arith.constant 3 : i32
    %gt3A_55 = arith.cmpi sgt, %arg0, %gt3A_54 : i32
    %convert_element_type3A_56 = arith.extui %gt3A_55 : i1 to i32
    %cond3A_57 = arith.constant 0 : i32
    %cond3A_58 = arith.cmpi ne, %convert_element_type3A_56, %cond3A_57 : i32
    scf.if %cond3A_58 {
      %le3A = vector.broadcast %get3A_53 : vector<512x1xf32> to vector<512x512xf32>
      %le3A_159 = vector.broadcast %get3A_1 : vector<1x512xf32> to vector<512x512xf32>
      %le3A_160 = arith.cmpf ole, %le3A, %le3A_159 : vector<512x512xf32>
      %convert_element_type3A_161 = arith.extui %le3A_160 : vector<512x512xi1> to vector<512x512xi32>
      %reduce_sum3A_162 = arith.constant dense<0> : vector<512xi32>
      %reduce_sum3A_163 = vector.multi_reduction <add>, %convert_element_type3A_161, %reduce_sum3A_162 [0] : vector<512x512xi32> to vector<512xi32>
      %broadcast_in_dim3A_164 = vector.shape_cast %reduce_sum3A_163 : vector<512xi32> to vector<1x512xi32>
      %swap3A_165 = arith.constant 3 : index
      %swap3A_166 = arith.constant 0 : index
      %swap3A_167 = vector.load %arg6[%swap3A_165, %swap3A_166] : memref<8x512xi32, #tpu.memory_space<vmem>>, vector<1x512xi32>
      tpu.vector_store %arg6[%swap3A_165, %swap3A_166], %broadcast_in_dim3A_164 {strides = array<i32>} : memref<8x512xi32, #tpu.memory_space<vmem>>, vector<1x512xi32>,
    } else {
    }
    %lt3A_59 = arith.constant 3 : i32
    %lt3A_60 = arith.cmpi slt, %arg0, %lt3A_59 : i32
    %convert_element_type3A_61 = arith.extui %lt3A_60 : i1 to i32
    %cond3A_62 = arith.constant 0 : i32
    %cond3A_63 = arith.cmpi ne, %convert_element_type3A_61, %cond3A_62 : i32
    scf.if %cond3A_63 {
      %lt3A_159 = vector.broadcast %get3A_53 : vector<512x1xf32> to vector<512x512xf32>
      %lt3A_160 = vector.broadcast %get3A_1 : vector<1x512xf32> to vector<512x512xf32>
      %lt3A_161 = arith.cmpf olt, %lt3A_159, %lt3A_160 : vector<512x512xf32>
      %convert_element_type3A_162 = arith.extui %lt3A_161 : vector<512x512xi1> to vector<512x512xi32>
      %reduce_sum3A_163 = arith.constant dense<0> : vector<512xi32>
      %reduce_sum3A_164 = vector.multi_reduction <add>, %convert_element_type3A_162, %reduce_sum3A_163 [0] : vector<512x512xi32> to vector<512xi32>
      %broadcast_in_dim3A_165 = vector.shape_cast %reduce_sum3A_164 : vector<512xi32> to vector<1x512xi32>
      %swap3A_166 = arith.constant 3 : index
      %swap3A_167 = arith.constant 0 : index
      %swap3A_168 = vector.load %arg6[%swap3A_166, %swap3A_167] : memref<8x512xi32, #tpu.memory_space<vmem>>, vector<1x512xi32>
      tpu.vector_store %arg6[%swap3A_166, %swap3A_167], %broadcast_in_dim3A_165 {strides = array<i32>} : memref<8x512xi32, #tpu.memory_space<vmem>>, vector<1x512xi32>,
    } else {
    }
    %eq3A_64 = arith.constant 3 : i32
    %eq3A_65 = arith.cmpi eq, %arg0, %eq3A_64 : i32
    %convert_element_type3A_66 = arith.extui %eq3A_65 : i1 to i32
    %cond3A_67 = arith.constant 0 : i32
    %cond3A_68 = arith.cmpi ne, %convert_element_type3A_66, %cond3A_67 : i32
    scf.if %cond3A_68 {
      %iota3A_159 = tpu.iota {dimensions = array<i32: 0>} : vector<512x512xi32>
      %iota3A_160 = tpu.iota {dimensions = array<i32: 1>} : vector<512x512xi32>
      %lt3A_161 = arith.cmpi slt, %iota3A_159, %iota3A_160 : vector<512x512xi32>
      %lt3A_162 = vector.broadcast %get3A_53 : vector<512x1xf32> to vector<512x512xf32>
      %lt3A_163 = vector.broadcast %get3A_1 : vector<1x512xf32> to vector<512x512xf32>
      %lt3A_164 = arith.cmpf olt, %lt3A_162, %lt3A_163 : vector<512x512xf32>
      %eq3A_165 = vector.broadcast %get3A_53 : vector<512x1xf32> to vector<512x512xf32>
      %eq3A_166 = vector.broadcast %get3A_1 : vector<1x512xf32> to vector<512x512xf32>
      %eq3A_167 = arith.cmpf oeq, %eq3A_165, %eq3A_166 : vector<512x512xf32>
      %and3A = arith.andi %eq3A_167, %lt3A_161 : vector<512x512xi1>
      %or3A = arith.ori %lt3A_164, %and3A : vector<512x512xi1>
      %convert_element_type3A_168 = arith.extui %or3A : vector<512x512xi1> to vector<512x512xi32>
      %reduce_sum3A_169 = arith.constant dense<0> : vector<512xi32>
      %reduce_sum3A_170 = vector.multi_reduction <add>, %convert_element_type3A_168, %reduce_sum3A_169 [0] : vector<512x512xi32> to vector<512xi32>
      %broadcast_in_dim3A_171 = vector.shape_cast %reduce_sum3A_170 : vector<512xi32> to vector<1x512xi32>
      %swap3A_172 = arith.constant 3 : index
      %swap3A_173 = arith.constant 0 : index
      %swap3A_174 = vector.load %arg6[%swap3A_172, %swap3A_173] : memref<8x512xi32, #tpu.memory_space<vmem>>, vector<1x512xi32>
      tpu.vector_store %arg6[%swap3A_172, %swap3A_173], %broadcast_in_dim3A_171 {strides = array<i32>} : memref<8x512xi32, #tpu.memory_space<vmem>>, vector<1x512xi32>,
    } else {
    }
    %get3A_69 = arith.constant 2048 : index
    %get3A_70 = arith.constant 0 : index
    %get3A_71 = vector.load %arg3[%get3A_69, %get3A_70] : memref<4096x1xf32, #tpu.memory_space<vmem>>, vector<512x1xf32>
    %gt3A_72 = arith.constant 4 : i32
    %gt3A_73 = arith.cmpi sgt, %arg0, %gt3A_72 : i32
    %convert_element_type3A_74 = arith.extui %gt3A_73 : i1 to i32
    %cond3A_75 = arith.constant 0 : i32
    %cond3A_76 = arith.cmpi ne, %convert_element_type3A_74, %cond3A_75 : i32
    scf.if %cond3A_76 {
      %le3A = vector.broadcast %get3A_71 : vector<512x1xf32> to vector<512x512xf32>
      %le3A_159 = vector.broadcast %get3A_1 : vector<1x512xf32> to vector<512x512xf32>
      %le3A_160 = arith.cmpf ole, %le3A, %le3A_159 : vector<512x512xf32>
      %convert_element_type3A_161 = arith.extui %le3A_160 : vector<512x512xi1> to vector<512x512xi32>
      %reduce_sum3A_162 = arith.constant dense<0> : vector<512xi32>
      %reduce_sum3A_163 = vector.multi_reduction <add>, %convert_element_type3A_161, %reduce_sum3A_162 [0] : vector<512x512xi32> to vector<512xi32>
      %broadcast_in_dim3A_164 = vector.shape_cast %reduce_sum3A_163 : vector<512xi32> to vector<1x512xi32>
      %swap3A_165 = arith.constant 4 : index
      %swap3A_166 = arith.constant 0 : index
      %swap3A_167 = vector.load %arg6[%swap3A_165, %swap3A_166] : memref<8x512xi32, #tpu.memory_space<vmem>>, vector<1x512xi32>
      tpu.vector_store %arg6[%swap3A_165, %swap3A_166], %broadcast_in_dim3A_164 {strides = array<i32>} : memref<8x512xi32, #tpu.memory_space<vmem>>, vector<1x512xi32>,
    } else {
    }
    %lt3A_77 = arith.constant 4 : i32
    %lt3A_78 = arith.cmpi slt, %arg0, %lt3A_77 : i32
    %convert_element_type3A_79 = arith.extui %lt3A_78 : i1 to i32
    %cond3A_80 = arith.constant 0 : i32
    %cond3A_81 = arith.cmpi ne, %convert_element_type3A_79, %cond3A_80 : i32
    scf.if %cond3A_81 {
      %lt3A_159 = vector.broadcast %get3A_71 : vector<512x1xf32> to vector<512x512xf32>
      %lt3A_160 = vector.broadcast %get3A_1 : vector<1x512xf32> to vector<512x512xf32>
      %lt3A_161 = arith.cmpf olt, %lt3A_159, %lt3A_160 : vector<512x512xf32>
      %convert_element_type3A_162 = arith.extui %lt3A_161 : vector<512x512xi1> to vector<512x512xi32>
      %reduce_sum3A_163 = arith.constant dense<0> : vector<512xi32>
      %reduce_sum3A_164 = vector.multi_reduction <add>, %convert_element_type3A_162, %reduce_sum3A_163 [0] : vector<512x512xi32> to vector<512xi32>
      %broadcast_in_dim3A_165 = vector.shape_cast %reduce_sum3A_164 : vector<512xi32> to vector<1x512xi32>
      %swap3A_166 = arith.constant 4 : index
      %swap3A_167 = arith.constant 0 : index
      %swap3A_168 = vector.load %arg6[%swap3A_166, %swap3A_167] : memref<8x512xi32, #tpu.memory_space<vmem>>, vector<1x512xi32>
      tpu.vector_store %arg6[%swap3A_166, %swap3A_167], %broadcast_in_dim3A_165 {strides = array<i32>} : memref<8x512xi32, #tpu.memory_space<vmem>>, vector<1x512xi32>,
    } else {
    }
    %eq3A_82 = arith.constant 4 : i32
    %eq3A_83 = arith.cmpi eq, %arg0, %eq3A_82 : i32
    %convert_element_type3A_84 = arith.extui %eq3A_83 : i1 to i32
    %cond3A_85 = arith.constant 0 : i32
    %cond3A_86 = arith.cmpi ne, %convert_element_type3A_84, %cond3A_85 : i32
    scf.if %cond3A_86 {
      %iota3A_159 = tpu.iota {dimensions = array<i32: 0>} : vector<512x512xi32>
      %iota3A_160 = tpu.iota {dimensions = array<i32: 1>} : vector<512x512xi32>
      %lt3A_161 = arith.cmpi slt, %iota3A_159, %iota3A_160 : vector<512x512xi32>
      %lt3A_162 = vector.broadcast %get3A_71 : vector<512x1xf32> to vector<512x512xf32>
      %lt3A_163 = vector.broadcast %get3A_1 : vector<1x512xf32> to vector<512x512xf32>
      %lt3A_164 = arith.cmpf olt, %lt3A_162, %lt3A_163 : vector<512x512xf32>
      %eq3A_165 = vector.broadcast %get3A_71 : vector<512x1xf32> to vector<512x512xf32>
      %eq3A_166 = vector.broadcast %get3A_1 : vector<1x512xf32> to vector<512x512xf32>
      %eq3A_167 = arith.cmpf oeq, %eq3A_165, %eq3A_166 : vector<512x512xf32>
      %and3A = arith.andi %eq3A_167, %lt3A_161 : vector<512x512xi1>
      %or3A = arith.ori %lt3A_164, %and3A : vector<512x512xi1>
      %convert_element_type3A_168 = arith.extui %or3A : vector<512x512xi1> to vector<512x512xi32>
      %reduce_sum3A_169 = arith.constant dense<0> : vector<512xi32>
      %reduce_sum3A_170 = vector.multi_reduction <add>, %convert_element_type3A_168, %reduce_sum3A_169 [0] : vector<512x512xi32> to vector<512xi32>
      %broadcast_in_dim3A_171 = vector.shape_cast %reduce_sum3A_170 : vector<512xi32> to vector<1x512xi32>
      %swap3A_172 = arith.constant 4 : index
      %swap3A_173 = arith.constant 0 : index
      %swap3A_174 = vector.load %arg6[%swap3A_172, %swap3A_173] : memref<8x512xi32, #tpu.memory_space<vmem>>, vector<1x512xi32>
      tpu.vector_store %arg6[%swap3A_172, %swap3A_173], %broadcast_in_dim3A_171 {strides = array<i32>} : memref<8x512xi32, #tpu.memory_space<vmem>>, vector<1x512xi32>,
    } else {
    }
    %get3A_87 = arith.constant 2560 : index
    %get3A_88 = arith.constant 0 : index
    %get3A_89 = vector.load %arg3[%get3A_87, %get3A_88] : memref<4096x1xf32, #tpu.memory_space<vmem>>, vector<512x1xf32>
    %gt3A_90 = arith.constant 5 : i32
    %gt3A_91 = arith.cmpi sgt, %arg0, %gt3A_90 : i32
    %convert_element_type3A_92 = arith.extui %gt3A_91 : i1 to i32
    %cond3A_93 = arith.constant 0 : i32
    %cond3A_94 = arith.cmpi ne, %convert_element_type3A_92, %cond3A_93 : i32
    scf.if %cond3A_94 {
      %le3A = vector.broadcast %get3A_89 : vector<512x1xf32> to vector<512x512xf32>
      %le3A_159 = vector.broadcast %get3A_1 : vector<1x512xf32> to vector<512x512xf32>
      %le3A_160 = arith.cmpf ole, %le3A, %le3A_159 : vector<512x512xf32>
      %convert_element_type3A_161 = arith.extui %le3A_160 : vector<512x512xi1> to vector<512x512xi32>
      %reduce_sum3A_162 = arith.constant dense<0> : vector<512xi32>
      %reduce_sum3A_163 = vector.multi_reduction <add>, %convert_element_type3A_161, %reduce_sum3A_162 [0] : vector<512x512xi32> to vector<512xi32>
      %broadcast_in_dim3A_164 = vector.shape_cast %reduce_sum3A_163 : vector<512xi32> to vector<1x512xi32>
      %swap3A_165 = arith.constant 5 : index
      %swap3A_166 = arith.constant 0 : index
      %swap3A_167 = vector.load %arg6[%swap3A_165, %swap3A_166] : memref<8x512xi32, #tpu.memory_space<vmem>>, vector<1x512xi32>
      tpu.vector_store %arg6[%swap3A_165, %swap3A_166], %broadcast_in_dim3A_164 {strides = array<i32>} : memref<8x512xi32, #tpu.memory_space<vmem>>, vector<1x512xi32>,
    } else {
    }
    %lt3A_95 = arith.constant 5 : i32
    %lt3A_96 = arith.cmpi slt, %arg0, %lt3A_95 : i32
    %convert_element_type3A_97 = arith.extui %lt3A_96 : i1 to i32
    %cond3A_98 = arith.constant 0 : i32
    %cond3A_99 = arith.cmpi ne, %convert_element_type3A_97, %cond3A_98 : i32
    scf.if %cond3A_99 {
      %lt3A_159 = vector.broadcast %get3A_89 : vector<512x1xf32> to vector<512x512xf32>
      %lt3A_160 = vector.broadcast %get3A_1 : vector<1x512xf32> to vector<512x512xf32>
      %lt3A_161 = arith.cmpf olt, %lt3A_159, %lt3A_160 : vector<512x512xf32>
      %convert_element_type3A_162 = arith.extui %lt3A_161 : vector<512x512xi1> to vector<512x512xi32>
      %reduce_sum3A_163 = arith.constant dense<0> : vector<512xi32>
      %reduce_sum3A_164 = vector.multi_reduction <add>, %convert_element_type3A_162, %reduce_sum3A_163 [0] : vector<512x512xi32> to vector<512xi32>
      %broadcast_in_dim3A_165 = vector.shape_cast %reduce_sum3A_164 : vector<512xi32> to vector<1x512xi32>
      %swap3A_166 = arith.constant 5 : index
      %swap3A_167 = arith.constant 0 : index
      %swap3A_168 = vector.load %arg6[%swap3A_166, %swap3A_167] : memref<8x512xi32, #tpu.memory_space<vmem>>, vector<1x512xi32>
      tpu.vector_store %arg6[%swap3A_166, %swap3A_167], %broadcast_in_dim3A_165 {strides = array<i32>} : memref<8x512xi32, #tpu.memory_space<vmem>>, vector<1x512xi32>,
    } else {
    }
    %eq3A_100 = arith.constant 5 : i32
    %eq3A_101 = arith.cmpi eq, %arg0, %eq3A_100 : i32
    %convert_element_type3A_102 = arith.extui %eq3A_101 : i1 to i32
    %cond3A_103 = arith.constant 0 : i32
    %cond3A_104 = arith.cmpi ne, %convert_element_type3A_102, %cond3A_103 : i32
    scf.if %cond3A_104 {
      %iota3A_159 = tpu.iota {dimensions = array<i32: 0>} : vector<512x512xi32>
      %iota3A_160 = tpu.iota {dimensions = array<i32: 1>} : vector<512x512xi32>
      %lt3A_161 = arith.cmpi slt, %iota3A_159, %iota3A_160 : vector<512x512xi32>
      %lt3A_162 = vector.broadcast %get3A_89 : vector<512x1xf32> to vector<512x512xf32>
      %lt3A_163 = vector.broadcast %get3A_1 : vector<1x512xf32> to vector<512x512xf32>
      %lt3A_164 = arith.cmpf olt, %lt3A_162, %lt3A_163 : vector<512x512xf32>
      %eq3A_165 = vector.broadcast %get3A_89 : vector<512x1xf32> to vector<512x512xf32>
      %eq3A_166 = vector.broadcast %get3A_1 : vector<1x512xf32> to vector<512x512xf32>
      %eq3A_167 = arith.cmpf oeq, %eq3A_165, %eq3A_166 : vector<512x512xf32>
      %and3A = arith.andi %eq3A_167, %lt3A_161 : vector<512x512xi1>
      %or3A = arith.ori %lt3A_164, %and3A : vector<512x512xi1>
      %convert_element_type3A_168 = arith.extui %or3A : vector<512x512xi1> to vector<512x512xi32>
      %reduce_sum3A_169 = arith.constant dense<0> : vector<512xi32>
      %reduce_sum3A_170 = vector.multi_reduction <add>, %convert_element_type3A_168, %reduce_sum3A_169 [0] : vector<512x512xi32> to vector<512xi32>
      %broadcast_in_dim3A_171 = vector.shape_cast %reduce_sum3A_170 : vector<512xi32> to vector<1x512xi32>
      %swap3A_172 = arith.constant 5 : index
      %swap3A_173 = arith.constant 0 : index
      %swap3A_174 = vector.load %arg6[%swap3A_172, %swap3A_173] : memref<8x512xi32, #tpu.memory_space<vmem>>, vector<1x512xi32>
      tpu.vector_store %arg6[%swap3A_172, %swap3A_173], %broadcast_in_dim3A_171 {strides = array<i32>} : memref<8x512xi32, #tpu.memory_space<vmem>>, vector<1x512xi32>,
    } else {
    }
    %get3A_105 = arith.constant 3072 : index
    %get3A_106 = arith.constant 0 : index
    %get3A_107 = vector.load %arg3[%get3A_105, %get3A_106] : memref<4096x1xf32, #tpu.memory_space<vmem>>, vector<512x1xf32>
    %gt3A_108 = arith.constant 6 : i32
    %gt3A_109 = arith.cmpi sgt, %arg0, %gt3A_108 : i32
    %convert_element_type3A_110 = arith.extui %gt3A_109 : i1 to i32
    %cond3A_111 = arith.constant 0 : i32
    %cond3A_112 = arith.cmpi ne, %convert_element_type3A_110, %cond3A_111 : i32
    scf.if %cond3A_112 {
      %le3A = vector.broadcast %get3A_107 : vector<512x1xf32> to vector<512x512xf32>
      %le3A_159 = vector.broadcast %get3A_1 : vector<1x512xf32> to vector<512x512xf32>
      %le3A_160 = arith.cmpf ole, %le3A, %le3A_159 : vector<512x512xf32>
      %convert_element_type3A_161 = arith.extui %le3A_160 : vector<512x512xi1> to vector<512x512xi32>
      %reduce_sum3A_162 = arith.constant dense<0> : vector<512xi32>
      %reduce_sum3A_163 = vector.multi_reduction <add>, %convert_element_type3A_161, %reduce_sum3A_162 [0] : vector<512x512xi32> to vector<512xi32>
      %broadcast_in_dim3A_164 = vector.shape_cast %reduce_sum3A_163 : vector<512xi32> to vector<1x512xi32>
      %swap3A_165 = arith.constant 6 : index
      %swap3A_166 = arith.constant 0 : index
      %swap3A_167 = vector.load %arg6[%swap3A_165, %swap3A_166] : memref<8x512xi32, #tpu.memory_space<vmem>>, vector<1x512xi32>
      tpu.vector_store %arg6[%swap3A_165, %swap3A_166], %broadcast_in_dim3A_164 {strides = array<i32>} : memref<8x512xi32, #tpu.memory_space<vmem>>, vector<1x512xi32>,
    } else {
    }
    %lt3A_113 = arith.constant 6 : i32
    %lt3A_114 = arith.cmpi slt, %arg0, %lt3A_113 : i32
    %convert_element_type3A_115 = arith.extui %lt3A_114 : i1 to i32
    %cond3A_116 = arith.constant 0 : i32
    %cond3A_117 = arith.cmpi ne, %convert_element_type3A_115, %cond3A_116 : i32
    scf.if %cond3A_117 {
      %lt3A_159 = vector.broadcast %get3A_107 : vector<512x1xf32> to vector<512x512xf32>
      %lt3A_160 = vector.broadcast %get3A_1 : vector<1x512xf32> to vector<512x512xf32>
      %lt3A_161 = arith.cmpf olt, %lt3A_159, %lt3A_160 : vector<512x512xf32>
      %convert_element_type3A_162 = arith.extui %lt3A_161 : vector<512x512xi1> to vector<512x512xi32>
      %reduce_sum3A_163 = arith.constant dense<0> : vector<512xi32>
      %reduce_sum3A_164 = vector.multi_reduction <add>, %convert_element_type3A_162, %reduce_sum3A_163 [0] : vector<512x512xi32> to vector<512xi32>
      %broadcast_in_dim3A_165 = vector.shape_cast %reduce_sum3A_164 : vector<512xi32> to vector<1x512xi32>
      %swap3A_166 = arith.constant 6 : index
      %swap3A_167 = arith.constant 0 : index
      %swap3A_168 = vector.load %arg6[%swap3A_166, %swap3A_167] : memref<8x512xi32, #tpu.memory_space<vmem>>, vector<1x512xi32>
      tpu.vector_store %arg6[%swap3A_166, %swap3A_167], %broadcast_in_dim3A_165 {strides = array<i32>} : memref<8x512xi32, #tpu.memory_space<vmem>>, vector<1x512xi32>,
    } else {
    }
    %eq3A_118 = arith.constant 6 : i32
    %eq3A_119 = arith.cmpi eq, %arg0, %eq3A_118 : i32
    %convert_element_type3A_120 = arith.extui %eq3A_119 : i1 to i32
    %cond3A_121 = arith.constant 0 : i32
    %cond3A_122 = arith.cmpi ne, %convert_element_type3A_120, %cond3A_121 : i32
    scf.if %cond3A_122 {
      %iota3A_159 = tpu.iota {dimensions = array<i32: 0>} : vector<512x512xi32>
      %iota3A_160 = tpu.iota {dimensions = array<i32: 1>} : vector<512x512xi32>
      %lt3A_161 = arith.cmpi slt, %iota3A_159, %iota3A_160 : vector<512x512xi32>
      %lt3A_162 = vector.broadcast %get3A_107 : vector<512x1xf32> to vector<512x512xf32>
      %lt3A_163 = vector.broadcast %get3A_1 : vector<1x512xf32> to vector<512x512xf32>
      %lt3A_164 = arith.cmpf olt, %lt3A_162, %lt3A_163 : vector<512x512xf32>
      %eq3A_165 = vector.broadcast %get3A_107 : vector<512x1xf32> to vector<512x512xf32>
      %eq3A_166 = vector.broadcast %get3A_1 : vector<1x512xf32> to vector<512x512xf32>
      %eq3A_167 = arith.cmpf oeq, %eq3A_165, %eq3A_166 : vector<512x512xf32>
      %and3A = arith.andi %eq3A_167, %lt3A_161 : vector<512x512xi1>
      %or3A = arith.ori %lt3A_164, %and3A : vector<512x512xi1>
      %convert_element_type3A_168 = arith.extui %or3A : vector<512x512xi1> to vector<512x512xi32>
      %reduce_sum3A_169 = arith.constant dense<0> : vector<512xi32>
      %reduce_sum3A_170 = vector.multi_reduction <add>, %convert_element_type3A_168, %reduce_sum3A_169 [0] : vector<512x512xi32> to vector<512xi32>
      %broadcast_in_dim3A_171 = vector.shape_cast %reduce_sum3A_170 : vector<512xi32> to vector<1x512xi32>
      %swap3A_172 = arith.constant 6 : index
      %swap3A_173 = arith.constant 0 : index
      %swap3A_174 = vector.load %arg6[%swap3A_172, %swap3A_173] : memref<8x512xi32, #tpu.memory_space<vmem>>, vector<1x512xi32>
      tpu.vector_store %arg6[%swap3A_172, %swap3A_173], %broadcast_in_dim3A_171 {strides = array<i32>} : memref<8x512xi32, #tpu.memory_space<vmem>>, vector<1x512xi32>,
    } else {
    }
    %get3A_123 = arith.constant 3584 : index
    %get3A_124 = arith.constant 0 : index
    %get3A_125 = vector.load %arg3[%get3A_123, %get3A_124] : memref<4096x1xf32, #tpu.memory_space<vmem>>, vector<512x1xf32>
    %gt3A_126 = arith.constant 7 : i32
    %gt3A_127 = arith.cmpi sgt, %arg0, %gt3A_126 : i32
    %convert_element_type3A_128 = arith.extui %gt3A_127 : i1 to i32
    %cond3A_129 = arith.constant 0 : i32
    %cond3A_130 = arith.cmpi ne, %convert_element_type3A_128, %cond3A_129 : i32
    scf.if %cond3A_130 {
      %le3A = vector.broadcast %get3A_125 : vector<512x1xf32> to vector<512x512xf32>
      %le3A_159 = vector.broadcast %get3A_1 : vector<1x512xf32> to vector<512x512xf32>
      %le3A_160 = arith.cmpf ole, %le3A, %le3A_159 : vector<512x512xf32>
      %convert_element_type3A_161 = arith.extui %le3A_160 : vector<512x512xi1> to vector<512x512xi32>
      %reduce_sum3A_162 = arith.constant dense<0> : vector<512xi32>
      %reduce_sum3A_163 = vector.multi_reduction <add>, %convert_element_type3A_161, %reduce_sum3A_162 [0] : vector<512x512xi32> to vector<512xi32>
      %broadcast_in_dim3A_164 = vector.shape_cast %reduce_sum3A_163 : vector<512xi32> to vector<1x512xi32>
      %swap3A_165 = arith.constant 7 : index
      %swap3A_166 = arith.constant 0 : index
      %swap3A_167 = vector.load %arg6[%swap3A_165, %swap3A_166] : memref<8x512xi32, #tpu.memory_space<vmem>>, vector<1x512xi32>
      tpu.vector_store %arg6[%swap3A_165, %swap3A_166], %broadcast_in_dim3A_164 {strides = array<i32>} : memref<8x512xi32, #tpu.memory_space<vmem>>, vector<1x512xi32>,
    } else {
    }
    %lt3A_131 = arith.constant 7 : i32
    %lt3A_132 = arith.cmpi slt, %arg0, %lt3A_131 : i32
    %convert_element_type3A_133 = arith.extui %lt3A_132 : i1 to i32
    %cond3A_134 = arith.constant 0 : i32
    %cond3A_135 = arith.cmpi ne, %convert_element_type3A_133, %cond3A_134 : i32
    scf.if %cond3A_135 {
      %lt3A_159 = vector.broadcast %get3A_125 : vector<512x1xf32> to vector<512x512xf32>
      %lt3A_160 = vector.broadcast %get3A_1 : vector<1x512xf32> to vector<512x512xf32>
      %lt3A_161 = arith.cmpf olt, %lt3A_159, %lt3A_160 : vector<512x512xf32>
      %convert_element_type3A_162 = arith.extui %lt3A_161 : vector<512x512xi1> to vector<512x512xi32>
      %reduce_sum3A_163 = arith.constant dense<0> : vector<512xi32>
      %reduce_sum3A_164 = vector.multi_reduction <add>, %convert_element_type3A_162, %reduce_sum3A_163 [0] : vector<512x512xi32> to vector<512xi32>
      %broadcast_in_dim3A_165 = vector.shape_cast %reduce_sum3A_164 : vector<512xi32> to vector<1x512xi32>
      %swap3A_166 = arith.constant 7 : index
      %swap3A_167 = arith.constant 0 : index
      %swap3A_168 = vector.load %arg6[%swap3A_166, %swap3A_167] : memref<8x512xi32, #tpu.memory_space<vmem>>, vector<1x512xi32>
      tpu.vector_store %arg6[%swap3A_166, %swap3A_167], %broadcast_in_dim3A_165 {strides = array<i32>} : memref<8x512xi32, #tpu.memory_space<vmem>>, vector<1x512xi32>,
    } else {
    }
    %eq3A_136 = arith.constant 7 : i32
    %eq3A_137 = arith.cmpi eq, %arg0, %eq3A_136 : i32
    %convert_element_type3A_138 = arith.extui %eq3A_137 : i1 to i32
    %cond3A_139 = arith.constant 0 : i32
    %cond3A_140 = arith.cmpi ne, %convert_element_type3A_138, %cond3A_139 : i32
    scf.if %cond3A_140 {
      %iota3A_159 = tpu.iota {dimensions = array<i32: 0>} : vector<512x512xi32>
      %iota3A_160 = tpu.iota {dimensions = array<i32: 1>} : vector<512x512xi32>
      %lt3A_161 = arith.cmpi slt, %iota3A_159, %iota3A_160 : vector<512x512xi32>
      %lt3A_162 = vector.broadcast %get3A_125 : vector<512x1xf32> to vector<512x512xf32>
      %lt3A_163 = vector.broadcast %get3A_1 : vector<1x512xf32> to vector<512x512xf32>
      %lt3A_164 = arith.cmpf olt, %lt3A_162, %lt3A_163 : vector<512x512xf32>
      %eq3A_165 = vector.broadcast %get3A_125 : vector<512x1xf32> to vector<512x512xf32>
      %eq3A_166 = vector.broadcast %get3A_1 : vector<1x512xf32> to vector<512x512xf32>
      %eq3A_167 = arith.cmpf oeq, %eq3A_165, %eq3A_166 : vector<512x512xf32>
      %and3A = arith.andi %eq3A_167, %lt3A_161 : vector<512x512xi1>
      %or3A = arith.ori %lt3A_164, %and3A : vector<512x512xi1>
      %convert_element_type3A_168 = arith.extui %or3A : vector<512x512xi1> to vector<512x512xi32>
      %reduce_sum3A_169 = arith.constant dense<0> : vector<512xi32>
      %reduce_sum3A_170 = vector.multi_reduction <add>, %convert_element_type3A_168, %reduce_sum3A_169 [0] : vector<512x512xi32> to vector<512xi32>
      %broadcast_in_dim3A_171 = vector.shape_cast %reduce_sum3A_170 : vector<512xi32> to vector<1x512xi32>
      %swap3A_172 = arith.constant 7 : index
      %swap3A_173 = arith.constant 0 : index
      %swap3A_174 = vector.load %arg6[%swap3A_172, %swap3A_173] : memref<8x512xi32, #tpu.memory_space<vmem>>, vector<1x512xi32>
      tpu.vector_store %arg6[%swap3A_172, %swap3A_173], %broadcast_in_dim3A_171 {strides = array<i32>} : memref<8x512xi32, #tpu.memory_space<vmem>>, vector<1x512xi32>,
    } else {
    }
    %get3A_141 = arith.constant 0 : index
    %get3A_142 = arith.constant 0 : index
    %get3A_143 = vector.load %arg6[%get3A_141, %get3A_142] : memref<8x512xi32, #tpu.memory_space<vmem>>, vector<8x512xi32>
    %reduce_sum3A = arith.constant dense<0> : vector<512xi32>
    %reduce_sum3A_144 = vector.multi_reduction <add>, %get3A_143, %reduce_sum3A [0] : vector<8x512xi32> to vector<512xi32>
    %broadcast_in_dim3A = vector.shape_cast %reduce_sum3A_144 : vector<512xi32> to vector<1x512xi32>
    %iota3A = tpu.iota {dimensions = array<i32: 0>} : vector<8x512xi32>
    %mul3A = arith.constant 4096 : i32
    %mul3A_145 = vector.broadcast %mul3A : i32 to vector<8x512xi32>
    %mul3A_146 = arith.muli %iota3A, %mul3A_145 : vector<8x512xi32>
    %broadcast_in_dim3A_147 = vector.shape_cast %broadcast_in_dim3A : vector<1x512xi32> to vector<1x512xi32>
    %broadcast_in_dim3A_148 = vector.broadcast %broadcast_in_dim3A_147 : vector<1x512xi32> to vector<8x512xi32>
    %add3A = arith.addi %broadcast_in_dim3A_148, %mul3A_146 : vector<8x512xi32>
    %swap3A = arith.constant 0 : index
    %swap3A_149 = arith.constant 0 : index
    %swap3A_150 = vector.load %arg4[%swap3A, %swap3A_149] : memref<8x512xi32, #tpu.memory_space<vmem>>, vector<8x512xi32>
    tpu.vector_store %arg4[%swap3A, %swap3A_149], %add3A {strides = array<i32>} : memref<8x512xi32, #tpu.memory_space<vmem>>, vector<8x512xi32>,
    %get3A_151 = arith.constant 0 : index
    %get3A_152 = arith.constant 0 : index
    %get3A_153 = vector.load %arg2[%get3A_151, %get3A_152] : memref<8x512xf32, #tpu.memory_space<vmem>>, vector<8x512xf32>
    %transpose3A = tpu.transpose %get3A_153, [1, 0] : vector<8x512xf32> -> vector<512x8xf32>
    %jit3A = arith.constant 0 : i32
    %convert_element_type3A_154 = arith.sitofp %jit3A : i32 to f32
    %pad3A = vector.broadcast %convert_element_type3A_154 : f32 to vector<512x120xf32>
    %pad3A_155 = tpu.concatenate %transpose3A, %pad3A in 1 : vector<512x8xf32>, vector<512x120xf32> -> vector<512x128xf32>
    %swap3A_156 = arith.constant 0 : index
    %swap3A_157 = arith.constant 0 : index
    %swap3A_158 = vector.load %arg5[%swap3A_156, %swap3A_157] : memref<512x128xf32, #tpu.memory_space<vmem>>, vector<512x128xf32>
    tpu.vector_store %arg5[%swap3A_156, %swap3A_157], %pad3A_155 {strides = array<i32>} : memref<512x128xf32, #tpu.memory_space<vmem>>, vector<512x128xf32>,
    return
  }
  func.func @transform_0(%arg0: i32) -> (i32, i32) {
    %c0_i32 = arith.constant 0 : i32
    %c0_i32_0 = arith.constant 0 : i32
    return %c0_i32, %arg0 : i32, i32
  }
  func.func @transform_1(%arg0: i32) -> (i32, i32) {
    %c0_i32 = arith.constant 0 : i32
    %c0_i32_0 = arith.constant 0 : i32
    return %c0_i32, %arg0 : i32, i32
  }
  func.func @transform_2(%arg0: i32) -> (i32, i32) {
    %c0_i32 = arith.constant 0 : i32
    %c0_i32_0 = arith.constant 0 : i32
    %c0_i32_1 = arith.constant 0 : i32
    return %c0_i32, %c0_i32_0 : i32, i32
  }
  func.func @transform_3(%arg0: i32) -> (i32, i32) {
    %c0_i32 = arith.constant 0 : i32
    %c0_i32_0 = arith.constant 0 : i32
    return %c0_i32, %arg0 : i32, i32
  }
  func.func @transform_4(%arg0: i32) -> (i32, i32) {
    %c0_i32 = arith.constant 0 : i32
    %c0_i32_0 = arith.constant 0 : i32
    return %arg0, %c0_i32 : i32, i32
  }
}

</mosaic_0001>

<sc_bundles>
// kernel: kernel.4.cloned.1.call-start
scs
__scs_entry_jumppad:
0x0: {  	(pc) =	sbr.rel $0x88, $3  }
0x1: {  	(tag) =	ssettag $0x0;
	lr =	simm.s32 $0x1  }
0x2: {  	[smem:$0x3F9F] =	sst lr;
	_ =	strace $0xD0000000  }
0x3: {  	_ = 	snop  }
0x4: {  	_ = 	snop  }
0x5: {  	_ = 	snop  }
0x6: {  	_ = 	snop  }
0x7: {  	_ = 	snop  }
__scs_overlays_trampoline_lowered:
0x8: {  	[smem:$0x3FAE] =	sst s0  }
0x9: {  	[smem:$0x3FAF] =	sst s1  }
0xa: {  	[smem:$0x3FB0] =	sst s2  }
0xb: {  	[smem:$0x3FB1] =	sst s3  }
0xc: {  	[smem:$0x3FB2] =	sst s4  }
0xd: {  	[smem:$0x3FB3] =	sst s5  }
0xe: {  	[smem:$0x3FB4] =	sst s6  }
0xf: {  	[smem:$0x3FB5] =	sst s7  }
0x10: {  	[smem:$0x3FB6] =	sst s8  }
0x11: {  	[smem:$0x3FB7] =	sst s9;
	s0 =	simm.s32 @!p0 $0x0  }
0x12: {  	s1 =	sld [smem:$0x3F9D];
	s0 =	simm.s32 @p0 $0x1  }
0x13: {  	[smem:$0x3FB8] =	sst s0;
	s0 =	simm.s32 @!p1 $0x0  }
0x14: {  	s2 =	sld [smem:$0x3F9C];
	s0 =	simm.s32 @p1 $0x1  }
0x15: {  	[smem:$0x3FB9] =	sst s0;
	s0 =	simm.s32 @!p2 $0x0  }
0x16: {  	s3 =	sld [smem:$0x3FDB];
	s0 =	simm.s32 @p2 $0x1  }
0x17: {  	s4 =	simm.s32 $0x1BF5;
	[smem:$0x3FBB] =	sst s0  }
0x18: {  	s0 =	sld [smem:$0x3F9E];
	_ =	swait.ge [sflag:s4], $0x0  }
0x19: {  	s7 =	sld [smem:$0x3F9F]  }
0x1a: {  	s8 =	sadd.s32 $0xFFFFE003, lr  }
0x1b: {  	s9 =	sadd.s32 $0xFFFFFEF7, lr;
	s5 =	simm.s32 $0xFFFFFFFF;
	p2 =	slt.u32 s8, $0xFFFFF086  }
0x1c: {  	p1 =	slt.u32 s9, $0xF7A;
	s5 =	simm.s32 @!p2 $0x0  }
0x1d: {  	s5 =	simm.s32 @p1 $0x1;
	p0 =	seq.s32 s7, s2  }
0x1e: {  	s7 =	smul.u32 @!p0 $0xF7A, s2;
	p2 =	seq.s32 @!p0 s5, $0x0  }
0x1f: {  	s9 =	smul.u32 $0xF7A, s1;
	s8 =	simm.s32 @!p0 $0x1BF5;
	p2 =	por !p2, p0  }
0x20: {  	[sflag:s8] =	ssyncset.s32 @!p0 $0xFFFFF086;
	s6 =	sadd.s32 @!p0 s3, s7;
	s7 =	simm.s32 @!p0 $0x108  }
0x21: {  	s3 =	sadd.s32 s3, s9;
	s6 =	sadd.s32 @!p0 $0x88, s6;
	s7 =	simm.s32 @p2 $0x1082  }
0x22: {  	[simem:s7], [sflag:s8] =	dma.local @!p0 [hbm:s6], $0xF7A  }
0x23: {  	s9 =	sor.u32 $0xD0000000, s2;
	s6 =	simm.s32 $0x108;
	_ =	swait.ge @!p0 [sflag:s8], $0x0  }
0x24: {  	s3 =	sadd.s32 $0x88, s3;
	s6 =	simm.s32 @!p1 $0x1082;
	[sflag:s4] =	ssyncset.s32 $0xFFFFF086  }
0x25: {  	[simem:s6], [sflag:s4] =	dma.local [hbm:s3], $0xF7A  }
0x26: {  	[smem:$0x3F9F] =	sst s1;
	(tag) =	ssettag s2;
	_ =	strace s9  }
0x27: {  	s1 =	sld [smem:$0x3FAF]  }
0x28: {  	s2 =	sld [smem:$0x3FB0]  }
0x29: {  	s4 =	sld [smem:$0x3FB2]  }
0x2a: {  	p0 =	seq.s32 s5, $0x0;
	s5 =	sld [smem:$0x3FB3]  }
0x2b: {  	s6 =	sld [smem:$0x3FB4]  }
0x2c: {  	s7 =	sld [smem:$0x3FB5]  }
0x2d: {  	s3 =	simm.s32 $0x108;
	s8 =	sld [smem:$0x3FB6]  }
0x2e: {  	s3 =	simm.s32 @!p0 $0x1082;
	s9 =	sld [smem:$0x3FB7]  }
0x2f: {  	lr =	sadd.s32 s0, s3;
	s0 =	sld [smem:$0x3FAE]  }
0x30: {  	s3 =	sld [smem:$0x3FB1]  }
0x31: {  	[smem:$0x3FBA] =	sst s10  }
0x32: {  	s10 =	sld [smem:$0x3FB8];
	_ =	sdelay $0x3  }
0x33: {  	p0 =	seq.s32 s10, $0x1;
	s10 =	sld [smem:$0x3FBA];
	_ =	sdelay $0x3  }
0x34: {  	[smem:$0x3FBA] =	sst s10  }
0x35: {  	s10 =	sld [smem:$0x3FB9];
	_ =	sdelay $0x3  }
0x36: {  	p1 =	seq.s32 s10, $0x1;
	s10 =	sld [smem:$0x3FBA];
	_ =	sdelay $0x3  }
0x37: {  	[smem:$0x3FBA] =	sst s10  }
0x38: {  	s10 =	sld [smem:$0x3FBB]  }
0x39: {  	_ = 	snop;
	(pc) =	sbr.ind lr, $3  }
0x3a: {  	_ = 	snop  }
0x3b: {  	_ = 	snop  }
0x3c: {  	p2 =	seq.s32 s10, $0x1;
	s10 =	sld [smem:$0x3FBA]  }
0x3d: {  	_ =	shalt  }
0x3e: {  	_ =	shalt  }
0x3f: {  	_ =	shalt  }
0x40: {  	_ =	shalt  }
0x41: {  	_ =	shalt  }
0x42: {  	_ =	shalt  }
0x43: {  	_ =	shalt  }
0x44: {  	_ =	shalt  }
0x45: {  	_ =	shalt  }
0x46: {  	_ =	shalt  }
0x47: {  	_ =	shalt  }
0x48: {  	_ =	shalt  }
0x49: {  	_ =	shalt  }
0x4a: {  	_ =	shalt  }
0x4b: {  	_ =	shalt  }
0x4c: {  	_ =	shalt  }
0x4d: {  	_ =	shalt  }
0x4e: {  	_ =	shalt  }
0x4f: {  	_ =	shalt  }
0x50: {  	_ =	shalt  }
0x51: {  	_ =	shalt  }
0x52: {  	_ =	shalt  }
0x53: {  	_ =	shalt  }
0x54: {  	_ =	shalt  }
0x55: {  	_ =	shalt  }
0x56: {  	_ =	shalt  }
0x57: {  	_ =	shalt  }
0x58: {  	_ =	shalt  }
0x59: {  	_ =	shalt  }
0x5a: {  	_ =	shalt  }
0x5b: {  	_ =	shalt  }
0x5c: {  	_ =	shalt  }
0x5d: {  	_ =	shalt  }
0x5e: {  	_ =	shalt  }
0x5f: {  	_ =	shalt  }
0x60: {  	_ =	shalt  }
0x61: {  	_ =	shalt  }
0x62: {  	_ =	shalt  }
0x63: {  	_ =	shalt  }
0x64: {  	_ =	shalt  }
0x65: {  	_ =	shalt  }
0x66: {  	_ =	shalt  }
0x67: {  	_ =	shalt  }
0x68: {  	_ =	shalt  }
0x69: {  	_ =	shalt  }
0x6a: {  	_ =	shalt  }
0x6b: {  	_ =	shalt  }
0x6c: {  	_ =	shalt  }
0x6d: {  	_ =	shalt  }
0x6e: {  	_ =	shalt  }
0x6f: {  	_ =	shalt  }
0x70: {  	_ =	shalt  }
0x71: {  	_ =	shalt  }
0x72: {  	_ =	shalt  }
0x73: {  	_ =	shalt  }
0x74: {  	_ =	shalt  }
0x75: {  	_ =	shalt  }
0x76: {  	_ =	shalt  }
0x77: {  	_ =	shalt  }
0x78: {  	_ =	shalt  }
0x79: {  	_ =	shalt  }
0x7a: {  	_ =	shalt  }
0x7b: {  	_ =	shalt  }
0x7c: {  	_ =	shalt  }
0x7d: {  	_ =	shalt  }
0x7e: {  	_ =	shalt  }
0x7f: {  	_ =	shalt  }
0x80: {  	_ =	shalt  }
0x81: {  	_ =	shalt  }
0x82: {  	_ =	shalt  }
0x83: {  	_ =	shalt  }
0x84: {  	_ =	shalt  }
0x85: {  	_ =	shalt  }
0x86: {  	_ =	shalt  }
0x87: {  	_ =	shalt  }
.Lfunc_end0:
.L_simem_size_0:
called_computation_lowered:
.L_overlay_start_0:
0x88: {  	s2 =	sld [smem:$0x3FD9]  }
0x89: {  	s3 =	sld [smem:$0x3FFE];
	_ =	sdelay $0x1  }
0x8a: {  	s1 =	srdreg.scid  }
0x8b: {  	s0 =	sand.u32 $0x1, s1  }
0x8c: {  	s14 =	sshll.u32 s0, $0xA;
	s2 =	sadd.s32 s3, s2  }
0x8d: {  	s2 =	sadd.s32 s2, s14  }
0x8e: {  	[smem:$0x3FC6] =	sst s2  }
0x8f: {  	_ = 	snop  }
0x90: {  	s2 =	sld [smem:$0x3FD0];
	_ =	sdelay $0x2  }
0x91: {  	s4 =	simm.s32 $0xA;
	s5 =	simm.s32 $0x10;
	s15 =	sld [smem:$0x3FC9]  }
0x92: {  	[smem:s5], [sflag:s4] =	dma.local [hbm:s2], $0x1  }
0x93: {  	_ =	swait.eq [sflag:s4], $0x1  }
0x94: {  	[sflag:s4] =	ssyncset.done $0x0  }
0x95: {  	s16 =	sld [smem:$0x10];
	[sflag:s4] =	ssyncadd.s32 $0xFFFFFFFF  }
0x96: {  	s17 =	sld [smem:$0x11];
	(tm) =	ssettm $0x1  }
0x97: {  	s18 =	sld [smem:$0x3FFB];
	_ =	sdelay $0x3  }
0x98: {  	_ =	strace s18  }
0x99: {  	s5 =	sld [smem:$0x3FFC];
	_ =	sdelay $0x3  }
0x9a: {  	_ =	strace s5  }
0x9b: {  	s5 =	sld [smem:$0x3FFD];
	_ =	sdelay $0x3  }
0x9c: {  	_ =	strace s5  }
0x9d: {  	_ =	strace $0x8FFFFFFF  }
0x9e: {  	s19 =	sld [smem:$0x3FDB];
	_ =	sdelay $0x1  }
0x9f: {  	s6 =	simm.s32 $_scs_section_size  }
0xa0: {  	s7 =	simm.s32 $_size__tile_overlayer_lowered;
	s8 =	simm.s32 $_tile_overlayer_lowered  }
0xa1: {  	s22 =	simm.s32 $0x1BFF;
	s21 =	sshll.u32 s8, $0x1;
	s5 =	sadd.s32 s6, s19  }
0xa2: {  	s9 =	simm.s32 $0x0;
	s20 =	sshll.u32 s7, $0x1;
	s7 =	sadd.s32 s21, s5  }
0xa3: {  	[timem:s9], [sflag:s22] =	dma.local [hbm:s7], s20  }
0xa4: {  	_ =	swait.ge [sflag:s22], s20  }
0xa5: {  	s6 =	ssub.s32 $0x0, s20;
	[sflag:s22] =	ssyncset.done $0x0  }
0xa6: {  	[sflag:s22] =	ssyncadd.s32 s6;
	_ =	sdelay $0x1  }
0xa7: {  	s23 =	simm.s32 $0x1B8B  }
0xa8: {  	_ =	swait.ge [sflag:s23], $0x1  }
0xa9: {  	[sflag:s23] =	ssyncset.done $0x0  }
0xaa: {  	s25 =	simm.s32 $0x1B8E;
	s24 =	sld [smem:$0x3FFE];
	[sflag:s23] =	ssyncadd.s32 $0xFFFFFFFF  }
0xab: {  	s26 =	simm.s32 $execute0_lowered;
	[smem:$0x3FD2] =	sst s25  }
0xac: {  	s7 =	sshll.u32 s26, $0x1;
	_ =	strace $0x80000046;
	[dreg:$0x1] =	wrdreg $0xFFFFFFFF  }
0xad: {  	s28 =	simm.s32 $_size_execute0_lowered;
	s5 =	sadd.s32 s5, s7;
	[dreg:$0x0] =	wrdreg $0x0  }
0xae: {  	s7 =	sshll.u32 s28, $0x1;
	[dreg:$0x2] =	wrdreg s5  }
0xaf: {  	[dreg:$0x3] =	wrdreg s7  }
0xb0: {  	[dreg:$0x4] =	wrdreg $0xC0  }
0xb1: {  	_ =	task [dreg:s9], $0x5FFFF  }
0xb2: {  	[dreg:$0x1] =	wrdreg $0xFFFFFFFF  }
0xb3: {  	[dreg:$0x0] =	wrdreg $0x60  }
0xb4: {  	[dreg:$0x2] =	wrdreg s15  }
0xb5: {  	[dreg:$0x3] =	wrdreg s17  }
0xb6: {  	[dreg:$0x4] =	wrdreg s24  }
0xb7: {  	[dreg:$0x5] =	wrdreg s16  }
0xb8: {  	[dreg:$0x6] =	wrdreg $0x9  }
0xb9: {  	_ =	task.clear_ibuf [dreg:s9], $0x7FFFF;
	_ =	strace $0x90000046  }
0xba: {  	s29 =	simm.s32 $0x9;
	_ =	strace $0x80000048  }
0xbb: {  	_ =	swait.ge [sflag:s29], $0x1  }
0xbc: {  	[sflag:s29] =	ssyncadd.s32 $0xFFFFFFFF  }
0xbd: {  	_ =	strace $0x90000048  }
0xbe: {  	_ =	sfence  }
0xbf: {  	s30 =	sld [smem:$0x0];
	_ =	sdelay $0x2  }
0xc0: {  	s31 =	sshll.u32 s1, $0xD;
	s1 =	sshrl.u32 s1, $0x2  }
0xc1: {  	s3 =	sand.u32 $0x4000, s31;
	s1 =	sadd.s32 s1, s30  }
0xc2: {  	s0 =	sor.u32 s3, s0;
	s1 =	sshll.u32 s1, $0x11  }
0xc3: {  	s0 =	sor.u32 s1, s0  }
0xc4: {  	s0 =	sadd.s32 $0x8F2B, s0  }
0xc5: {  	[sflag:s0] =	ssyncadd.remote.s32 $0x1  }
0xc6: {  	_ =	sfence.sel $0xFFFF  }
0xc7: {  	[dreg:$0x0] =	wrdreg $0xFFFFFFFF;
	(pc) =	sbr.abs _section_cstart, $3  }
0xc8: {  	[dreg:$0x1] =	wrdreg $0xFFFFFFFF  }
0xc9: {  	_ =	task.clear_ibuf [dreg:s9], $0x2FFFF;
	_ =	strace $0x9FFFFFFF  }
0xca: {  	(tm) =	ssettm $0x7FFFFFFF  }
0xcb: {  	_ =	shalt  }
tec
execute0_lowered:
.L_overlay_start_1:
0x0: {  	(tag) =	ssettag $0x1  }
0x1: {  	s0 =	rddreg [dreg:$0x0]  }
0x2: {  	s1 =	rddreg [dreg:$0x1]  }
0x3: {  	s4 =	rddreg [dreg:$0x2]  }
0x4: {  	s2 =	rddreg [dreg:$0x3];
	s5 =	srdreg.scid  }
0x5: {  	s6 =	stileid.u32;
	s3 =	simm.s32 $0x0;
	s31 =	simm.s32 $0x80  }
0x6: {  	s11 =	simm.s32 $0x1;
	s29 =	simm.s32 $0x2;
	s10 =	simm.s32 $0x4480  }
0x7: {  	s9 =	simm.s32 $0x16C80;
	s12 =	simm.s32 $0x17480;
	s13 =	simm.s32 $0x17C80  }
0x8: {  	s14 =	simm.s32 $0x18480;
	s5 =	sand.u32 $0x1, s5;
	s6 =	sshll.u32 s6, $0x1  }
0x9: {  	s15 =	simm.s32 $0x18C80;
	[smem:$0x7FF] =	sst s3;
	s6 =	sor.u32 s5, s6  }
0xa: {  	_ =	strace $0x80000047;
	[dreg:$0x10] =	wrdreg s31;
	s7 =	sshll.u32 s6, $0xB  }
0xb: {  	s8 =	sshll.u32 s6, $0x7;
	s7 =	sadd.s32 s7, s4;
	s4 =	sadd.s32 $0x11000, s4  }
0xc: {  	s17 =	sshll.u32 s6, $0x4;
	s16 =	sadd.s32 s1, s8;
	[dreg:$0x5] =	wrdreg s4  }
0xd: {  	s18 =	sshll.u32 s6, $0xF;
	s1 =	sadd.s32 s1, s17;
	[dreg:$0x6] =	wrdreg s16  }
0xe: {  	s28 =	simm.s32 $0x1BC80;
	s6 =	sadd.s32 s0, s18;
	[dreg:$0x7] =	wrdreg s1  }
0xf: {  	s23 =	ssub.s32 $0x2, s5;
	s19 =	sadd.s32 $0x1000, s7;
	[dreg:$0x11] =	wrdreg s6  }
0x10: {  	s25 =	sshrl.u32 s23, $0x1;
	s0 =	sadd.s32 $0x1000, s6;
	[dreg:$0x8] =	wrdreg s19  }
0x11: {  	s8 =	simm.s32 $0x16480;
	s20 =	sadd.s32 $0x2000, s6;
	[dreg:$0x9] =	wrdreg s0  }
0x12: {  	s17 =	simm.s32 $0x19C80;
	s21 =	sadd.s32 $0x3000, s6;
	[dreg:$0xa] =	wrdreg s20  }
0x13: {  	s18 =	simm.s32 $0x1A480;
	s22 =	sadd.s32 $0x4000, s6;
	[dreg:$0xb] =	wrdreg s21  }
0x14: {  	s24 =	sadd.s32 $0x5000, s6;
	s26 =	sadd.s32 $0x6000, s6;
	[dreg:$0xc] =	wrdreg s22  }
0x15: {  	s1 =	ssub.s32 s23, s25;
	s30 =	sadd.s32 $0x7000, s6;
	[dreg:$0xd] =	wrdreg s24  }
0x16: {  	s23 =	simm.s32 $0x3;
	s7 =	simm.s32 $0x15C80;
	[dreg:$0xe] =	wrdreg s26  }
0x17: {  	v2 =	vlaneseq.u32;
	s16 =	simm.s32 $0x19480;
	[dreg:$0xf] =	wrdreg s30;
	s5 =	smax.u32 s1, $0x1  }
0x18: {  	vm0 =	vmmov $0xffff;
	v1 =	vshrl.u32 v2, $0x3;
	s1 =	simm.s32 $0x8;
	s20 =	simm.s32 $0x4;
	s22 =	simm.s32 $0x5  }
0x19: {  	v0 =	vand.u32 $0x7, v2;
	v2 =	vor.u32 $0x8, v2;
	v1 =	vmul.u32 $0x8, v1;
	s21 =	simm.s32 $0xC480;
	s19 =	simm.s32 $0x1AC80;
	s24 =	simm.s32 $0x1B480  }
.LBB2_1:
0x1a: {  	s25 =	rddreg [dreg:$0x6]  }
0x1b: {  	[tilespmem:s3], [sflag:$0x8] =	stream.linear.gather [hbm4b:s25+s3], $0x400, $0x38;
	[tilespmem:$0x1C480] =	vst v63  }
0x1c: {  	_ =	swait.ge [sflag:s1], $0x400  }
0x1d: {  	[sflag:s1] =	ssyncset.done $0x0  }
0x1e: {  	s30 =	simm.s32 $0x400;
	s6 =	rddreg [dreg:$0x7];
	[sflag:s1] =	ssyncadd.s32 $0xFFFFFC00  }
0x1f: {  	[tilespmem:s30], [sflag:$0x8] =	stream.linear.gather [hbm4b:s6+s3], $0x80, $0x38;
	[tilespmem:$0x1C480] =	vst v63  }
0x20: {  	_ =	swait.ge [sflag:s1], $0x80  }
0x21: {  	[sflag:s1] =	ssyncset.done $0x0  }
0x22: {  	s31 =	simm.s32 $0x480;
	s26 =	rddreg [dreg:$0x8];
	[sflag:s1] =	ssyncadd.s32 $0xFFFFFF80  }
0x23: {  	[tilespmem:s31], [sflag:$0x8] =	stream.linear.gather [hbm4b:s26+s3], $0x4000, $0x38;
	[tilespmem:$0x1C480] =	vst v63  }
0x24: {  	_ =	swait.ge [sflag:s1], $0x4000  }
0x25: {  	s0 =	rddreg [dreg:$0x5];
	[sflag:s1] =	ssyncset.done $0x0  }
0x26: {  	s26 =	rddreg [dreg:$0x10];
	[sflag:s1] =	ssyncadd.s32 $0xFFFFC000  }
0x27: {  	[hbm4b:s0+s26] =	stream.indirect.scatter [tilespmem:s31], [sflag:$0x7], $0x80, s30, s26, $0xb8;
	[tilespmem:$0x1C480] =	vst v63  }
0x28: {  	s6 =	rddreg [dreg:$0x11]  }
0x29: {  	[tilespmem:s10], [sflag:$0x1] =	stream.linear.gather [hbm4b:s6+s3], $0x8000, $0x38;
	[tilespmem:$0x1C480] =	vst v63  }
0x2a: {  	s4 =	rddreg [dreg:$0x9]  }
0x2b: {  	[tilespmem:s21], [sflag:$0x2] =	stream.linear.gather [hbm4b:s4+s3], $0x8000, $0x38;
	[tilespmem:$0x1C480] =	vst v63  }
0x2c: {  	_ =	swait.ge [sflag:s11], $0x8000  }
0x2d: {  	[sflag:s11] =	ssyncset.done $0x0  }
0x2e: {  	[sflag:s11] =	ssyncadd.s32 $0xFFFF8000  }
0x2f: {  	v3 =	vld [tilespmem:$0x0];
	_ =	sdelay $0x4  }
0x30: {  	v4 =	vshll.u32 v3, $0x1  }
0x31: {  	v3 =	vand.u32 $0x7, v3;
	v4 =	vand.u32 $0xFFFFFFF0, v4  }
0x32: {  	v3 =	vor.u32 v3, v4  }
0x33: {  	v4 =	vperm.xlane v3, v0;
	_ =	sdelay $0x1  }
0x34: {  	v3 =	vperm.xlane v3, v2;
	v4 =	vadd.s32 v1, v4;
	_ =	sdelay $0x1  }
0x35: {  	v3 =	vadd.s32 v1, v3;
	_ =	sdelay $0x2  }
0x36: {  	[hbm4b:s2+s3] =	stream.indirect_vreg.scatter [tilespmem:s10], [sflag:$0x4], $0x80, v4, vm0, $0xb8;
	[tilespmem:$0x1C480] =	vst v63  }
0x37: {  	s0 =	simm.s32 $0x4C80  }
0x38: {  	[hbm4b:s2+s3] =	stream.indirect_vreg.scatter [tilespmem:s0], [sflag:$0x4], $0x80, v3, vm0, $0xb8;
	[tilespmem:$0x1C480] =	vst v63  }
0x39: {  	v3 =	vld [tilespmem:$0x10];
	_ =	sdelay $0x4  }
0x3a: {  	v57 =	vshll.u32 v3, $0x1  }
0x3b: {  	v3 =	vand.u32 $0x7, v3;
	v4 =	vand.u32 $0xFFFFFFF0, v57  }
0x3c: {  	v3 =	vor.u32 v3, v4  }
0x3d: {  	v4 =	vperm.xlane v3, v0;
	_ =	sdelay $0x1  }
0x3e: {  	v3 =	vperm.xlane v3, v2;
	v4 =	vadd.s32 v1, v4;
	_ =	sdelay $0x1  }
0x3f: {  	v3 =	vadd.s32 v1, v3;
	_ =	sdelay $0x1  }
0x40: {  	s26 =	simm.s32 $0x5480  }
0x41: {  	[hbm4b:s2+s3] =	stream.indirect_vreg.scatter [tilespmem:s26], [sflag:$0x4], $0x80, v4, vm0, $0xb8;
	[tilespmem:$0x1C480] =	vst v63  }
0x42: {  	s30 =	simm.s32 $0x5C80  }
0x43: {  	[hbm4b:s2+s3] =	stream.indirect_vreg.scatter [tilespmem:s30], [sflag:$0x4], $0x80, v3, vm0, $0xb8;
	[tilespmem:$0x1C480] =	vst v63  }
0x44: {  	v3 =	vld [tilespmem:$0x20];
	_ =	sdelay $0x4  }
0x45: {  	v58 =	vshll.u32 v3, $0x1  }
0x46: {  	v3 =	vand.u32 $0x7, v3;
	v4 =	vand.u32 $0xFFFFFFF0, v58  }
0x47: {  	v3 =	vor.u32 v3, v4  }
0x48: {  	v4 =	vperm.xlane v3, v0;
	_ =	sdelay $0x1  }
0x49: {  	v3 =	vperm.xlane v3, v2;
	v4 =	vadd.s32 v1, v4;
	_ =	sdelay $0x1  }
0x4a: {  	v3 =	vadd.s32 v1, v3;
	_ =	sdelay $0x1  }
0x4b: {  	s31 =	simm.s32 $0x6480  }
0x4c: {  	[hbm4b:s2+s3] =	stream.indirect_vreg.scatter [tilespmem:s31], [sflag:$0x4], $0x80, v4, vm0, $0xb8;
	[tilespmem:$0x1C480] =	vst v63  }
0x4d: {  	s4 =	simm.s32 $0x6C80  }
0x4e: {  	[hbm4b:s2+s3] =	stream.indirect_vreg.scatter [tilespmem:s4], [sflag:$0x4], $0x80, v3, vm0, $0xb8;
	[tilespmem:$0x1C480] =	vst v63  }
0x4f: {  	v3 =	vld [tilespmem:$0x30];
	_ =	sdelay $0x4  }
0x50: {  	v59 =	vshll.u32 v3, $0x1  }
0x51: {  	v3 =	vand.u32 $0x7, v3;
	v4 =	vand.u32 $0xFFFFFFF0, v59  }
0x52: {  	v3 =	vor.u32 v3, v4  }
0x53: {  	v4 =	vperm.xlane v3, v0;
	_ =	sdelay $0x1  }
0x54: {  	v3 =	vperm.xlane v3, v2;
	v4 =	vadd.s32 v1, v4;
	_ =	sdelay $0x1  }
0x55: {  	v3 =	vadd.s32 v1, v3;
	_ =	sdelay $0x1  }
0x56: {  	s25 =	simm.s32 $0x7480  }
0x57: {  	[hbm4b:s2+s3] =	stream.indirect_vreg.scatter [tilespmem:s25], [sflag:$0x4], $0x80, v4, vm0, $0xb8;
	[tilespmem:$0x1C480] =	vst v63  }
0x58: {  	s26 =	simm.s32 $0x7C80  }
0x59: {  	[hbm4b:s2+s3] =	stream.indirect_vreg.scatter [tilespmem:s26], [sflag:$0x4], $0x80, v3, vm0, $0xb8;
	[tilespmem:$0x1C480] =	vst v63  }
0x5a: {  	v3 =	vld [tilespmem:$0x40];
	_ =	sdelay $0x4  }
0x5b: {  	v60 =	vshll.u32 v3, $0x1  }
0x5c: {  	v3 =	vand.u32 $0x7, v3;
	v4 =	vand.u32 $0xFFFFFFF0, v60  }
0x5d: {  	v3 =	vor.u32 v3, v4  }
0x5e: {  	v4 =	vperm.xlane v3, v0;
	_ =	sdelay $0x1  }
0x5f: {  	v3 =	vperm.xlane v3, v2;
	v4 =	vadd.s32 v1, v4;
	_ =	sdelay $0x1  }
0x60: {  	v3 =	vadd.s32 v1, v3;
	_ =	sdelay $0x1  }
0x61: {  	s30 =	simm.s32 $0x8480  }
0x62: {  	[hbm4b:s2+s3] =	stream.indirect_vreg.scatter [tilespmem:s30], [sflag:$0x4], $0x80, v4, vm0, $0xb8;
	[tilespmem:$0x1C480] =	vst v63  }
0x63: {  	s31 =	simm.s32 $0x8C80  }
0x64: {  	[hbm4b:s2+s3] =	stream.indirect_vreg.scatter [tilespmem:s31], [sflag:$0x4], $0x80, v3, vm0, $0xb8;
	[tilespmem:$0x1C480] =	vst v63  }
0x65: {  	v3 =	vld [tilespmem:$0x50];
	_ =	sdelay $0x4  }
0x66: {  	v61 =	vshll.u32 v3, $0x1  }
0x67: {  	v3 =	vand.u32 $0x7, v3;
	v4 =	vand.u32 $0xFFFFFFF0, v61  }
0x68: {  	v3 =	vor.u32 v3, v4  }
0x69: {  	v4 =	vperm.xlane v3, v0;
	_ =	sdelay $0x1  }
0x6a: {  	v3 =	vperm.xlane v3, v2;
	v4 =	vadd.s32 v1, v4;
	_ =	sdelay $0x1  }
0x6b: {  	v3 =	vadd.s32 v1, v3;
	_ =	sdelay $0x1  }
0x6c: {  	s4 =	simm.s32 $0x9480  }
0x6d: {  	[hbm4b:s2+s3] =	stream.indirect_vreg.scatter [tilespmem:s4], [sflag:$0x4], $0x80, v4, vm0, $0xb8;
	[tilespmem:$0x1C480] =	vst v63  }
0x6e: {  	s25 =	simm.s32 $0x9C80  }
0x6f: {  	[hbm4b:s2+s3] =	stream.indirect_vreg.scatter [tilespmem:s25], [sflag:$0x4], $0x80, v3, vm0, $0xb8;
	[tilespmem:$0x1C480] =	vst v63  }
0x70: {  	v3 =	vld [tilespmem:$0x60];
	_ =	sdelay $0x4  }
0x71: {  	v62 =	vshll.u32 v3, $0x1  }
0x72: {  	v3 =	vand.u32 $0x7, v3;
	v4 =	vand.u32 $0xFFFFFFF0, v62  }
0x73: {  	v3 =	vor.u32 v3, v4  }
0x74: {  	v4 =	vperm.xlane v3, v0;
	_ =	sdelay $0x1  }
0x75: {  	v3 =	vperm.xlane v3, v2;
	v4 =	vadd.s32 v1, v4;
	_ =	sdelay $0x1  }
0x76: {  	v3 =	vadd.s32 v1, v3;
	_ =	sdelay $0x1  }
0x77: {  	s26 =	simm.s32 $0xA480  }
0x78: {  	[hbm4b:s2+s3] =	stream.indirect_vreg.scatter [tilespmem:s26], [sflag:$0x4], $0x80, v4, vm0, $0xb8;
	[tilespmem:$0x1C480] =	vst v63  }
0x79: {  	s30 =	simm.s32 $0xAC80  }
0x7a: {  	[hbm4b:s2+s3] =	stream.indirect_vreg.scatter [tilespmem:s30], [sflag:$0x4], $0x80, v3, vm0, $0xb8;
	[tilespmem:$0x1C480] =	vst v63  }
0x7b: {  	v3 =	vld [tilespmem:$0x70];
	_ =	sdelay $0x4  }
0x7c: {  	v63 =	vshll.u32 v3, $0x1  }
0x7d: {  	v3 =	vand.u32 $0x7, v3;
	v4 =	vand.u32 $0xFFFFFFF0, v63  }
0x7e: {  	v3 =	vor.u32 v3, v4  }
0x7f: {  	v4 =	vperm.xlane v3, v0;
	_ =	sdelay $0x1  }
0x80: {  	v3 =	vperm.xlane v3, v2;
	v4 =	vadd.s32 v1, v4;
	_ =	sdelay $0x1  }
0x81: {  	v3 =	vadd.s32 v1, v3;
	_ =	sdelay $0x1  }
0x82: {  	s31 =	simm.s32 $0xB480  }
0x83: {  	[hbm4b:s2+s3] =	stream.indirect_vreg.scatter [tilespmem:s31], [sflag:$0x4], $0x80, v4, vm0, $0xb8;
	[tilespmem:$0x1C480] =	vst v63  }
0x84: {  	s26 =	simm.s32 $0xBC80  }
0x85: {  	[hbm4b:s2+s3] =	stream.indirect_vreg.scatter [tilespmem:s26], [sflag:$0x4], $0x80, v3, vm0, $0xb8;
	[tilespmem:$0x1C480] =	vst v63  }
0x86: {  	s0 =	simm.s32 $0x14480;
	s4 =	rddreg [dreg:$0xa]  }
0x87: {  	[tilespmem:s0], [sflag:$0x3] =	stream.linear.gather [hbm4b:s4+s3], $0x8000, $0x38;
	[tilespmem:$0x1C480] =	vst v63  }
0x88: {  	_ =	swait.ge [sflag:s29], $0x8000  }
0x89: {  	[sflag:s29] =	ssyncset.done $0x0  }
0x8a: {  	[sflag:s29] =	ssyncadd.s32 $0xFFFF8000  }
0x8b: {  	v3 =	vld [tilespmem:$0x80];
	_ =	sdelay $0x4  }
0x8c: {  	v8 =	vshll.u32 v3, $0x1  }
0x8d: {  	v3 =	vand.u32 $0x7, v3;
	v4 =	vand.u32 $0xFFFFFFF0, v8  }
0x8e: {  	v3 =	vor.u32 v3, v4  }
0x8f: {  	v4 =	vperm.xlane v3, v0;
	_ =	sdelay $0x1  }
0x90: {  	v3 =	vperm.xlane v3, v2;
	v4 =	vadd.s32 v1, v4;
	_ =	sdelay $0x1  }
0x91: {  	v3 =	vadd.s32 v1, v3;
	_ =	sdelay $0x2  }
0x92: {  	[hbm4b:s2+s3] =	stream.indirect_vreg.scatter [tilespmem:s21], [sflag:$0x5], $0x80, v4, vm0, $0xb8;
	[tilespmem:$0x1C480] =	vst v63  }
0x93: {  	s4 =	simm.s32 $0xCC80  }
0x94: {  	[hbm4b:s2+s3] =	stream.indirect_vreg.scatter [tilespmem:s4], [sflag:$0x5], $0x80, v3, vm0, $0xb8;
	[tilespmem:$0x1C480] =	vst v63  }
0x95: {  	v3 =	vld [tilespmem:$0x90];
	_ =	sdelay $0x4  }
0x96: {  	v9 =	vshll.u32 v3, $0x1  }
0x97: {  	v3 =	vand.u32 $0x7, v3;
	v4 =	vand.u32 $0xFFFFFFF0, v9  }
0x98: {  	v3 =	vor.u32 v3, v4  }
0x99: {  	v4 =	vperm.xlane v3, v0;
	_ =	sdelay $0x1  }
0x9a: {  	v3 =	vperm.xlane v3, v2;
	v4 =	vadd.s32 v1, v4;
	_ =	sdelay $0x1  }
0x9b: {  	v3 =	vadd.s32 v1, v3;
	_ =	sdelay $0x1  }
0x9c: {  	s30 =	simm.s32 $0xD480  }
0x9d: {  	[hbm4b:s2+s3] =	stream.indirect_vreg.scatter [tilespmem:s30], [sflag:$0x5], $0x80, v4, vm0, $0xb8;
	[tilespmem:$0x1C480] =	vst v63  }
0x9e: {  	s31 =	simm.s32 $0xDC80  }
0x9f: {  	[hbm4b:s2+s3] =	stream.indirect_vreg.scatter [tilespmem:s31], [sflag:$0x5], $0x80, v3, vm0, $0xb8;
	[tilespmem:$0x1C480] =	vst v63  }
0xa0: {  	v3 =	vld [tilespmem:$0xA0];
	_ =	sdelay $0x4  }
0xa1: {  	v10 =	vshll.u32 v3, $0x1  }
0xa2: {  	v3 =	vand.u32 $0x7, v3;
	v4 =	vand.u32 $0xFFFFFFF0, v10  }
0xa3: {  	v3 =	vor.u32 v3, v4  }
0xa4: {  	v4 =	vperm.xlane v3, v0;
	_ =	sdelay $0x1  }
0xa5: {  	v3 =	vperm.xlane v3, v2;
	v4 =	vadd.s32 v1, v4;
	_ =	sdelay $0x1  }
0xa6: {  	v3 =	vadd.s32 v1, v3;
	_ =	sdelay $0x1  }
0xa7: {  	s30 =	simm.s32 $0xE480  }
0xa8: {  	[hbm4b:s2+s3] =	stream.indirect_vreg.scatter [tilespmem:s30], [sflag:$0x5], $0x80, v4, vm0, $0xb8;
	[tilespmem:$0x1C480] =	vst v63  }
0xa9: {  	s31 =	simm.s32 $0xEC80  }
0xaa: {  	[hbm4b:s2+s3] =	stream.indirect_vreg.scatter [tilespmem:s31], [sflag:$0x5], $0x80, v3, vm0, $0xb8;
	[tilespmem:$0x1C480] =	vst v63  }
0xab: {  	v3 =	vld [tilespmem:$0xB0];
	_ =	sdelay $0x4  }
0xac: {  	v11 =	vshll.u32 v3, $0x1  }
0xad: {  	v3 =	vand.u32 $0x7, v3;
	v4 =	vand.u32 $0xFFFFFFF0, v11  }
0xae: {  	v3 =	vor.u32 v3, v4  }
0xaf: {  	v4 =	vperm.xlane v3, v0;
	_ =	sdelay $0x1  }
0xb0: {  	v3 =	vperm.xlane v3, v2;
	v4 =	vadd.s32 v1, v4;
	_ =	sdelay $0x1  }
0xb1: {  	v3 =	vadd.s32 v1, v3;
	_ =	sdelay $0x1  }
0xb2: {  	s25 =	simm.s32 $0xF480  }
0xb3: {  	[hbm4b:s2+s3] =	stream.indirect_vreg.scatter [tilespmem:s25], [sflag:$0x5], $0x80, v4, vm0, $0xb8;
	[tilespmem:$0x1C480] =	vst v63  }
0xb4: {  	s26 =	simm.s32 $0xFC80  }
0xb5: {  	[hbm4b:s2+s3] =	stream.indirect_vreg.scatter [tilespmem:s26], [sflag:$0x5], $0x80, v3, vm0, $0xb8;
	[tilespmem:$0x1C480] =	vst v63  }
0xb6: {  	v3 =	vld [tilespmem:$0xC0];
	_ =	sdelay $0x4  }
0xb7: {  	v12 =	vshll.u32 v3, $0x1  }
0xb8: {  	v3 =	vand.u32 $0x7, v3;
	v4 =	vand.u32 $0xFFFFFFF0, v12  }
0xb9: {  	v3 =	vor.u32 v3, v4  }
0xba: {  	v4 =	vperm.xlane v3, v0;
	_ =	sdelay $0x1  }
0xbb: {  	v3 =	vperm.xlane v3, v2;
	v4 =	vadd.s32 v1, v4;
	_ =	sdelay $0x1  }
0xbc: {  	v3 =	vadd.s32 v1, v3;
	_ =	sdelay $0x1  }
0xbd: {  	s25 =	simm.s32 $0x10480  }
0xbe: {  	[hbm4b:s2+s3] =	stream.indirect_vreg.scatter [tilespmem:s25], [sflag:$0x5], $0x80, v4, vm0, $0xb8;
	[tilespmem:$0x1C480] =	vst v63  }
0xbf: {  	s26 =	simm.s32 $0x10C80  }
0xc0: {  	[hbm4b:s2+s3] =	stream.indirect_vreg.scatter [tilespmem:s26], [sflag:$0x5], $0x80, v3, vm0, $0xb8;
	[tilespmem:$0x1C480] =	vst v63  }
0xc1: {  	v3 =	vld [tilespmem:$0xD0];
	_ =	sdelay $0x4  }
0xc2: {  	v13 =	vshll.u32 v3, $0x1  }
0xc3: {  	v3 =	vand.u32 $0x7, v3;
	v4 =	vand.u32 $0xFFFFFFF0, v13  }
0xc4: {  	v3 =	vor.u32 v3, v4  }
0xc5: {  	v4 =	vperm.xlane v3, v0;
	_ =	sdelay $0x1  }
0xc6: {  	v3 =	vperm.xlane v3, v2;
	v4 =	vadd.s32 v1, v4;
	_ =	sdelay $0x1  }
0xc7: {  	v3 =	vadd.s32 v1, v3;
	_ =	sdelay $0x1  }
0xc8: {  	s25 =	simm.s32 $0x11480  }
0xc9: {  	[hbm4b:s2+s3] =	stream.indirect_vreg.scatter [tilespmem:s25], [sflag:$0x5], $0x80, v4, vm0, $0xb8;
	[tilespmem:$0x1C480] =	vst v63  }
0xca: {  	s26 =	simm.s32 $0x11C80  }
0xcb: {  	[hbm4b:s2+s3] =	stream.indirect_vreg.scatter [tilespmem:s26], [sflag:$0x5], $0x80, v3, vm0, $0xb8;
	[tilespmem:$0x1C480] =	vst v63  }
0xcc: {  	v3 =	vld [tilespmem:$0xE0];
	_ =	sdelay $0x4  }
0xcd: {  	v14 =	vshll.u32 v3, $0x1  }
0xce: {  	v3 =	vand.u32 $0x7, v3;
	v4 =	vand.u32 $0xFFFFFFF0, v14  }
0xcf: {  	v3 =	vor.u32 v3, v4  }
0xd0: {  	v4 =	vperm.xlane v3, v0;
	_ =	sdelay $0x1  }
0xd1: {  	v3 =	vperm.xlane v3, v2;
	v4 =	vadd.s32 v1, v4;
	_ =	sdelay $0x1  }
0xd2: {  	v3 =	vadd.s32 v1, v3;
	_ =	sdelay $0x1  }
0xd3: {  	s25 =	simm.s32 $0x12480  }
0xd4: {  	[hbm4b:s2+s3] =	stream.indirect_vreg.scatter [tilespmem:s25], [sflag:$0x5], $0x80, v4, vm0, $0xb8;
	[tilespmem:$0x1C480] =	vst v63  }
0xd5: {  	s26 =	simm.s32 $0x12C80  }
0xd6: {  	[hbm4b:s2+s3] =	stream.indirect_vreg.scatter [tilespmem:s26], [sflag:$0x5], $0x80, v3, vm0, $0xb8;
	[tilespmem:$0x1C480] =	vst v63  }
0xd7: {  	v3 =	vld [tilespmem:$0xF0];
	_ =	sdelay $0x4  }
0xd8: {  	v15 =	vshll.u32 v3, $0x1  }
0xd9: {  	v3 =	vand.u32 $0x7, v3;
	v4 =	vand.u32 $0xFFFFFFF0, v15  }
0xda: {  	v3 =	vor.u32 v3, v4  }
0xdb: {  	v4 =	vperm.xlane v3, v0;
	_ =	sdelay $0x1  }
0xdc: {  	v3 =	vperm.xlane v3, v2;
	v4 =	vadd.s32 v1, v4;
	_ =	sdelay $0x1  }
0xdd: {  	v3 =	vadd.s32 v1, v3;
	_ =	sdelay $0x1  }
0xde: {  	s25 =	simm.s32 $0x13480  }
0xdf: {  	[hbm4b:s2+s3] =	stream.indirect_vreg.scatter [tilespmem:s25], [sflag:$0x5], $0x80, v4, vm0, $0xb8;
	[tilespmem:$0x1C480] =	vst v63  }
0xe0: {  	s26 =	simm.s32 $0x13C80  }
0xe1: {  	[hbm4b:s2+s3] =	stream.indirect_vreg.scatter [tilespmem:s26], [sflag:$0x5], $0x80, v3, vm0, $0xb8;
	[tilespmem:$0x1C480] =	vst v63  }
0xe2: {  	_ =	swait.ge [sflag:s20], $0x8000  }
0xe3: {  	[sflag:s20] =	ssyncset.done $0x0  }
0xe4: {  	s4 =	rddreg [dreg:$0xb];
	[sflag:s20] =	ssyncadd.s32 $0xFFFF8000  }
0xe5: {  	[tilespmem:s10], [sflag:$0x1] =	stream.linear.gather [hbm4b:s4+s3], $0x8000, $0x38;
	[tilespmem:$0x1C480] =	vst v63  }
0xe6: {  	_ =	swait.ge [sflag:s23], $0x8000  }
0xe7: {  	[sflag:s23] =	ssyncset.done $0x0  }
0xe8: {  	[sflag:s23] =	ssyncadd.s32 $0xFFFF8000  }
0xe9: {  	v3 =	vld [tilespmem:$0x100];
	_ =	sdelay $0x4  }
0xea: {  	v16 =	vshll.u32 v3, $0x1  }
0xeb: {  	v3 =	vand.u32 $0x7, v3;
	v4 =	vand.u32 $0xFFFFFFF0, v16  }
0xec: {  	v3 =	vor.u32 v3, v4  }
0xed: {  	v4 =	vperm.xlane v3, v0;
	_ =	sdelay $0x1  }
0xee: {  	v3 =	vperm.xlane v3, v2;
	v4 =	vadd.s32 v1, v4;
	_ =	sdelay $0x1  }
0xef: {  	v3 =	vadd.s32 v1, v3;
	_ =	sdelay $0x2  }
0xf0: {  	[hbm4b:s2+s3] =	stream.indirect_vreg.scatter [tilespmem:s0], [sflag:$0x6], $0x80, v4, vm0, $0xb8;
	[tilespmem:$0x1C480] =	vst v63  }
0xf1: {  	s26 =	simm.s32 $0x14C80  }
0xf2: {  	[hbm4b:s2+s3] =	stream.indirect_vreg.scatter [tilespmem:s26], [sflag:$0x6], $0x80, v3, vm0, $0xb8;
	[tilespmem:$0x1C480] =	vst v63  }
0xf3: {  	v3 =	vld [tilespmem:$0x110];
	_ =	sdelay $0x4  }
0xf4: {  	v17 =	vshll.u32 v3, $0x1  }
0xf5: {  	v3 =	vand.u32 $0x7, v3;
	v4 =	vand.u32 $0xFFFFFFF0, v17  }
0xf6: {  	v3 =	vor.u32 v3, v4  }
0xf7: {  	v4 =	vperm.xlane v3, v0;
	_ =	sdelay $0x1  }
0xf8: {  	v3 =	vperm.xlane v3, v2;
	v4 =	vadd.s32 v1, v4;
	_ =	sdelay $0x1  }
0xf9: {  	v3 =	vadd.s32 v1, v3;
	_ =	sdelay $0x1  }
0xfa: {  	s4 =	simm.s32 $0x15480  }
0xfb: {  	[hbm4b:s2+s3] =	stream.indirect_vreg.scatter [tilespmem:s4], [sflag:$0x6], $0x80, v4, vm0, $0xb8;
	[tilespmem:$0x1C480] =	vst v63  }
0xfc: {  	_ = 	snop  }
0xfd: {  	[hbm4b:s2+s3] =	stream.indirect_vreg.scatter [tilespmem:s7], [sflag:$0x6], $0x80, v3, vm0, $0xb8;
	[tilespmem:$0x1C480] =	vst v63  }
0xfe: {  	v3 =	vld [tilespmem:$0x120];
	_ =	sdelay $0x4  }
0xff: {  	v18 =	vshll.u32 v3, $0x1  }
0x100: {  	v3 =	vand.u32 $0x7, v3;
	v4 =	vand.u32 $0xFFFFFFF0, v18  }
0x101: {  	v3 =	vor.u32 v3, v4  }
0x102: {  	v4 =	vperm.xlane v3, v0;
	_ =	sdelay $0x1  }
0x103: {  	v3 =	vperm.xlane v3, v2;
	v4 =	vadd.s32 v1, v4;
	_ =	sdelay $0x1  }
0x104: {  	v3 =	vadd.s32 v1, v3;
	_ =	sdelay $0x2  }
0x105: {  	[hbm4b:s2+s3] =	stream.indirect_vreg.scatter [tilespmem:s8], [sflag:$0x6], $0x80, v4, vm0, $0xb8;
	[tilespmem:$0x1C480] =	vst v63  }
0x106: {  	_ = 	snop  }
0x107: {  	[hbm4b:s2+s3] =	stream.indirect_vreg.scatter [tilespmem:s9], [sflag:$0x6], $0x80, v3, vm0, $0xb8;
	[tilespmem:$0x1C480] =	vst v63  }
0x108: {  	v3 =	vld [tilespmem:$0x130];
	_ =	sdelay $0x4  }
0x109: {  	v19 =	vshll.u32 v3, $0x1  }
0x10a: {  	v3 =	vand.u32 $0x7, v3;
	v4 =	vand.u32 $0xFFFFFFF0, v19  }
0x10b: {  	v3 =	vor.u32 v3, v4  }
0x10c: {  	v4 =	vperm.xlane v3, v0;
	_ =	sdelay $0x1  }
0x10d: {  	v3 =	vperm.xlane v3, v2;
	v4 =	vadd.s32 v1, v4;
	_ =	sdelay $0x1  }
0x10e: {  	v3 =	vadd.s32 v1, v3;
	_ =	sdelay $0x2  }
0x10f: {  	[hbm4b:s2+s3] =	stream.indirect_vreg.scatter [tilespmem:s12], [sflag:$0x6], $0x80, v4, vm0, $0xb8;
	[tilespmem:$0x1C480] =	vst v63  }
0x110: {  	_ = 	snop  }
0x111: {  	[hbm4b:s2+s3] =	stream.indirect_vreg.scatter [tilespmem:s13], [sflag:$0x6], $0x80, v3, vm0, $0xb8;
	[tilespmem:$0x1C480] =	vst v63  }
0x112: {  	v3 =	vld [tilespmem:$0x140];
	_ =	sdelay $0x4  }
0x113: {  	v20 =	vshll.u32 v3, $0x1  }
0x114: {  	v3 =	vand.u32 $0x7, v3;
	v4 =	vand.u32 $0xFFFFFFF0, v20  }
0x115: {  	v3 =	vor.u32 v3, v4  }
0x116: {  	v4 =	vperm.xlane v3, v0;
	_ =	sdelay $0x1  }
0x117: {  	v3 =	vperm.xlane v3, v2;
	v4 =	vadd.s32 v1, v4;
	_ =	sdelay $0x1  }
0x118: {  	v3 =	vadd.s32 v1, v3;
	_ =	sdelay $0x2  }
0x119: {  	[hbm4b:s2+s3] =	stream.indirect_vreg.scatter [tilespmem:s14], [sflag:$0x6], $0x80, v4, vm0, $0xb8;
	[tilespmem:$0x1C480] =	vst v63  }
0x11a: {  	_ = 	snop  }
0x11b: {  	[hbm4b:s2+s3] =	stream.indirect_vreg.scatter [tilespmem:s15], [sflag:$0x6], $0x80, v3, vm0, $0xb8;
	[tilespmem:$0x1C480] =	vst v63  }
0x11c: {  	v3 =	vld [tilespmem:$0x150];
	_ =	sdelay $0x4  }
0x11d: {  	v21 =	vshll.u32 v3, $0x1  }
0x11e: {  	v3 =	vand.u32 $0x7, v3;
	v4 =	vand.u32 $0xFFFFFFF0, v21  }
0x11f: {  	v3 =	vor.u32 v3, v4  }
0x120: {  	v4 =	vperm.xlane v3, v0;
	_ =	sdelay $0x1  }
0x121: {  	v3 =	vperm.xlane v3, v2;
	v4 =	vadd.s32 v1, v4;
	_ =	sdelay $0x1  }
0x122: {  	v3 =	vadd.s32 v1, v3;
	_ =	sdelay $0x2  }
0x123: {  	[hbm4b:s2+s3] =	stream.indirect_vreg.scatter [tilespmem:s16], [sflag:$0x6], $0x80, v4, vm0, $0xb8;
	[tilespmem:$0x1C480] =	vst v63  }
0x124: {  	_ = 	snop  }
0x125: {  	[hbm4b:s2+s3] =	stream.indirect_vreg.scatter [tilespmem:s17], [sflag:$0x6], $0x80, v3, vm0, $0xb8;
	[tilespmem:$0x1C480] =	vst v63  }
0x126: {  	v3 =	vld [tilespmem:$0x160];
	_ =	sdelay $0x4  }
0x127: {  	v22 =	vshll.u32 v3, $0x1  }
0x128: {  	v3 =	vand.u32 $0x7, v3;
	v4 =	vand.u32 $0xFFFFFFF0, v22  }
0x129: {  	v3 =	vor.u32 v3, v4  }
0x12a: {  	v4 =	vperm.xlane v3, v0;
	_ =	sdelay $0x1  }
0x12b: {  	v3 =	vperm.xlane v3, v2;
	v4 =	vadd.s32 v1, v4;
	_ =	sdelay $0x1  }
0x12c: {  	v3 =	vadd.s32 v1, v3;
	_ =	sdelay $0x2  }
0x12d: {  	[hbm4b:s2+s3] =	stream.indirect_vreg.scatter [tilespmem:s18], [sflag:$0x6], $0x80, v4, vm0, $0xb8;
	[tilespmem:$0x1C480] =	vst v63  }
0x12e: {  	_ = 	snop  }
0x12f: {  	[hbm4b:s2+s3] =	stream.indirect_vreg.scatter [tilespmem:s19], [sflag:$0x6], $0x80, v3, vm0, $0xb8;
	[tilespmem:$0x1C480] =	vst v63  }
0x130: {  	v3 =	vld [tilespmem:$0x170];
	_ =	sdelay $0x4  }
0x131: {  	v23 =	vshll.u32 v3, $0x1  }
0x132: {  	v3 =	vand.u32 $0x7, v3;
	v4 =	vand.u32 $0xFFFFFFF0, v23  }
0x133: {  	v3 =	vor.u32 v3, v4  }
0x134: {  	v4 =	vperm.xlane v3, v0;
	_ =	sdelay $0x1  }
0x135: {  	v3 =	vperm.xlane v3, v2;
	v4 =	vadd.s32 v1, v4;
	_ =	sdelay $0x1  }
0x136: {  	v3 =	vadd.s32 v1, v3;
	_ =	sdelay $0x2  }
0x137: {  	[hbm4b:s2+s3] =	stream.indirect_vreg.scatter [tilespmem:s24], [sflag:$0x6], $0x80, v4, vm0, $0xb8;
	[tilespmem:$0x1C480] =	vst v63  }
0x138: {  	_ = 	snop  }
0x139: {  	[hbm4b:s2+s3] =	stream.indirect_vreg.scatter [tilespmem:s28], [sflag:$0x6], $0x80, v3, vm0, $0xb8;
	[tilespmem:$0x1C480] =	vst v63  }
0x13a: {  	_ =	swait.ge [sflag:s22], $0x8000  }
0x13b: {  	[sflag:s22] =	ssyncset.done $0x0  }
0x13c: {  	s25 =	rddreg [dreg:$0xc];
	[sflag:s22] =	ssyncadd.s32 $0xFFFF8000  }
0x13d: {  	[tilespmem:s21], [sflag:$0x2] =	stream.linear.gather [hbm4b:s25+s3], $0x8000, $0x38;
	[tilespmem:$0x1C480] =	vst v63  }
0x13e: {  	_ =	swait.ge [sflag:s11], $0x8000  }
0x13f: {  	[sflag:s11] =	ssyncset.done $0x0  }
0x140: {  	[sflag:s11] =	ssyncadd.s32 $0xFFFF8000  }
0x141: {  	v3 =	vld [tilespmem:$0x180];
	_ =	sdelay $0x4  }
0x142: {  	v24 =	vshll.u32 v3, $0x1  }
0x143: {  	v3 =	vand.u32 $0x7, v3;
	v4 =	vand.u32 $0xFFFFFFF0, v24  }
0x144: {  	v3 =	vor.u32 v3, v4  }
0x145: {  	v4 =	vperm.xlane v3, v0;
	_ =	sdelay $0x1  }
0x146: {  	v3 =	vperm.xlane v3, v2;
	v4 =	vadd.s32 v1, v4;
	_ =	sdelay $0x1  }
0x147: {  	v3 =	vadd.s32 v1, v3;
	_ =	sdelay $0x2  }
0x148: {  	[hbm4b:s2+s3] =	stream.indirect_vreg.scatter [tilespmem:s10], [sflag:$0x4], $0x80, v4, vm0, $0xb8;
	[tilespmem:$0x1C480] =	vst v63  }
0x149: {  	s6 =	simm.s32 $0x4C80  }
0x14a: {  	[hbm4b:s2+s3] =	stream.indirect_vreg.scatter [tilespmem:s6], [sflag:$0x4], $0x80, v3, vm0, $0xb8;
	[tilespmem:$0x1C480] =	vst v63  }
0x14b: {  	v3 =	vld [tilespmem:$0x190];
	_ =	sdelay $0x4  }
0x14c: {  	v25 =	vshll.u32 v3, $0x1  }
0x14d: {  	v3 =	vand.u32 $0x7, v3;
	v4 =	vand.u32 $0xFFFFFFF0, v25  }
0x14e: {  	v3 =	vor.u32 v3, v4  }
0x14f: {  	v4 =	vperm.xlane v3, v0;
	_ =	sdelay $0x1  }
0x150: {  	v3 =	vperm.xlane v3, v2;
	v4 =	vadd.s32 v1, v4;
	_ =	sdelay $0x1  }
0x151: {  	v3 =	vadd.s32 v1, v3;
	_ =	sdelay $0x1  }
0x152: {  	s25 =	simm.s32 $0x5480  }
0x153: {  	[hbm4b:s2+s3] =	stream.indirect_vreg.scatter [tilespmem:s25], [sflag:$0x4], $0x80, v4, vm0, $0xb8;
	[tilespmem:$0x1C480] =	vst v63  }
0x154: {  	s25 =	simm.s32 $0x5C80  }
0x155: {  	[hbm4b:s2+s3] =	stream.indirect_vreg.scatter [tilespmem:s25], [sflag:$0x4], $0x80, v3, vm0, $0xb8;
	[tilespmem:$0x1C480] =	vst v63  }
0x156: {  	v3 =	vld [tilespmem:$0x1A0];
	_ =	sdelay $0x4  }
0x157: {  	v26 =	vshll.u32 v3, $0x1  }
0x158: {  	v3 =	vand.u32 $0x7, v3;
	v4 =	vand.u32 $0xFFFFFFF0, v26  }
0x159: {  	v3 =	vor.u32 v3, v4  }
0x15a: {  	v4 =	vperm.xlane v3, v0;
	_ =	sdelay $0x1  }
0x15b: {  	v3 =	vperm.xlane v3, v2;
	v4 =	vadd.s32 v1, v4;
	_ =	sdelay $0x1  }
0x15c: {  	v3 =	vadd.s32 v1, v3;
	_ =	sdelay $0x1  }
0x15d: {  	s25 =	simm.s32 $0x6480  }
0x15e: {  	[hbm4b:s2+s3] =	stream.indirect_vreg.scatter [tilespmem:s25], [sflag:$0x4], $0x80, v4, vm0, $0xb8;
	[tilespmem:$0x1C480] =	vst v63  }
0x15f: {  	s25 =	simm.s32 $0x6C80  }
0x160: {  	[hbm4b:s2+s3] =	stream.indirect_vreg.scatter [tilespmem:s25], [sflag:$0x4], $0x80, v3, vm0, $0xb8;
	[tilespmem:$0x1C480] =	vst v63  }
0x161: {  	v3 =	vld [tilespmem:$0x1B0];
	_ =	sdelay $0x4  }
0x162: {  	v27 =	vshll.u32 v3, $0x1  }
0x163: {  	v3 =	vand.u32 $0x7, v3;
	v4 =	vand.u32 $0xFFFFFFF0, v27  }
0x164: {  	v3 =	vor.u32 v3, v4  }
0x165: {  	v4 =	vperm.xlane v3, v0;
	_ =	sdelay $0x1  }
0x166: {  	v3 =	vperm.xlane v3, v2;
	v4 =	vadd.s32 v1, v4;
	_ =	sdelay $0x1  }
0x167: {  	v3 =	vadd.s32 v1, v3;
	_ =	sdelay $0x1  }
0x168: {  	s25 =	simm.s32 $0x7480  }
0x169: {  	[hbm4b:s2+s3] =	stream.indirect_vreg.scatter [tilespmem:s25], [sflag:$0x4], $0x80, v4, vm0, $0xb8;
	[tilespmem:$0x1C480] =	vst v63  }
0x16a: {  	s25 =	simm.s32 $0x7C80  }
0x16b: {  	[hbm4b:s2+s3] =	stream.indirect_vreg.scatter [tilespmem:s25], [sflag:$0x4], $0x80, v3, vm0, $0xb8;
	[tilespmem:$0x1C480] =	vst v63  }
0x16c: {  	v3 =	vld [tilespmem:$0x1C0];
	_ =	sdelay $0x4  }
0x16d: {  	v28 =	vshll.u32 v3, $0x1  }
0x16e: {  	v3 =	vand.u32 $0x7, v3;
	v4 =	vand.u32 $0xFFFFFFF0, v28  }
0x16f: {  	v3 =	vor.u32 v3, v4  }
0x170: {  	v4 =	vperm.xlane v3, v0;
	_ =	sdelay $0x1  }
0x171: {  	v3 =	vperm.xlane v3, v2;
	v4 =	vadd.s32 v1, v4;
	_ =	sdelay $0x1  }
0x172: {  	v3 =	vadd.s32 v1, v3;
	_ =	sdelay $0x1  }
0x173: {  	s25 =	simm.s32 $0x8480  }
0x174: {  	[hbm4b:s2+s3] =	stream.indirect_vreg.scatter [tilespmem:s25], [sflag:$0x4], $0x80, v4, vm0, $0xb8;
	[tilespmem:$0x1C480] =	vst v63  }
0x175: {  	s25 =	simm.s32 $0x8C80  }
0x176: {  	[hbm4b:s2+s3] =	stream.indirect_vreg.scatter [tilespmem:s25], [sflag:$0x4], $0x80, v3, vm0, $0xb8;
	[tilespmem:$0x1C480] =	vst v63  }
0x177: {  	v3 =	vld [tilespmem:$0x1D0];
	_ =	sdelay $0x4  }
0x178: {  	v29 =	vshll.u32 v3, $0x1  }
0x179: {  	v3 =	vand.u32 $0x7, v3;
	v4 =	vand.u32 $0xFFFFFFF0, v29  }
0x17a: {  	v3 =	vor.u32 v3, v4  }
0x17b: {  	v4 =	vperm.xlane v3, v0;
	_ =	sdelay $0x1  }
0x17c: {  	v3 =	vperm.xlane v3, v2;
	v4 =	vadd.s32 v1, v4;
	_ =	sdelay $0x1  }
0x17d: {  	v3 =	vadd.s32 v1, v3;
	_ =	sdelay $0x1  }
0x17e: {  	s25 =	simm.s32 $0x9480  }
0x17f: {  	[hbm4b:s2+s3] =	stream.indirect_vreg.scatter [tilespmem:s25], [sflag:$0x4], $0x80, v4, vm0, $0xb8;
	[tilespmem:$0x1C480] =	vst v63  }
0x180: {  	s25 =	simm.s32 $0x9C80  }
0x181: {  	[hbm4b:s2+s3] =	stream.indirect_vreg.scatter [tilespmem:s25], [sflag:$0x4], $0x80, v3, vm0, $0xb8;
	[tilespmem:$0x1C480] =	vst v63  }
0x182: {  	v3 =	vld [tilespmem:$0x1E0];
	_ =	sdelay $0x4  }
0x183: {  	v30 =	vshll.u32 v3, $0x1  }
0x184: {  	v3 =	vand.u32 $0x7, v3;
	v4 =	vand.u32 $0xFFFFFFF0, v30  }
0x185: {  	v3 =	vor.u32 v3, v4  }
0x186: {  	v4 =	vperm.xlane v3, v0;
	_ =	sdelay $0x1  }
0x187: {  	v3 =	vperm.xlane v3, v2;
	v4 =	vadd.s32 v1, v4;
	_ =	sdelay $0x1  }
0x188: {  	v3 =	vadd.s32 v1, v3;
	_ =	sdelay $0x1  }
0x189: {  	s25 =	simm.s32 $0xA480  }
0x18a: {  	[hbm4b:s2+s3] =	stream.indirect_vreg.scatter [tilespmem:s25], [sflag:$0x4], $0x80, v4, vm0, $0xb8;
	[tilespmem:$0x1C480] =	vst v63  }
0x18b: {  	s25 =	simm.s32 $0xAC80  }
0x18c: {  	[hbm4b:s2+s3] =	stream.indirect_vreg.scatter [tilespmem:s25], [sflag:$0x4], $0x80, v3, vm0, $0xb8;
	[tilespmem:$0x1C480] =	vst v63  }
0x18d: {  	v3 =	vld [tilespmem:$0x1F0];
	_ =	sdelay $0x4  }
0x18e: {  	v31 =	vshll.u32 v3, $0x1  }
0x18f: {  	v3 =	vand.u32 $0x7, v3;
	v4 =	vand.u32 $0xFFFFFFF0, v31  }
0x190: {  	v3 =	vor.u32 v3, v4  }
0x191: {  	v4 =	vperm.xlane v3, v0;
	_ =	sdelay $0x1  }
0x192: {  	v3 =	vperm.xlane v3, v2;
	v4 =	vadd.s32 v1, v4;
	_ =	sdelay $0x1  }
0x193: {  	v3 =	vadd.s32 v1, v3;
	_ =	sdelay $0x1  }
0x194: {  	s25 =	simm.s32 $0xB480  }
0x195: {  	[hbm4b:s2+s3] =	stream.indirect_vreg.scatter [tilespmem:s25], [sflag:$0x4], $0x80, v4, vm0, $0xb8;
	[tilespmem:$0x1C480] =	vst v63  }
0x196: {  	s6 =	simm.s32 $0x6;
	s25 =	simm.s32 $0xBC80  }
0x197: {  	[hbm4b:s2+s3] =	stream.indirect_vreg.scatter [tilespmem:s25], [sflag:$0x4], $0x80, v3, vm0, $0xb8;
	[tilespmem:$0x1C480] =	vst v63  }
0x198: {  	_ =	swait.ge [sflag:s6], $0x8000  }
0x199: {  	[sflag:s6] =	ssyncset.done $0x0  }
0x19a: {  	s25 =	rddreg [dreg:$0xd];
	[sflag:s6] =	ssyncadd.s32 $0xFFFF8000  }
0x19b: {  	[tilespmem:s0], [sflag:$0x3] =	stream.linear.gather [hbm4b:s25+s3], $0x8000, $0x38;
	[tilespmem:$0x1C480] =	vst v63  }
0x19c: {  	_ =	swait.ge [sflag:s29], $0x8000  }
0x19d: {  	[sflag:s29] =	ssyncset.done $0x0  }
0x19e: {  	[sflag:s29] =	ssyncadd.s32 $0xFFFF8000  }
0x19f: {  	v3 =	vld [tilespmem:$0x200];
	_ =	sdelay $0x4  }
0x1a0: {  	v32 =	vshll.u32 v3, $0x1  }
0x1a1: {  	v3 =	vand.u32 $0x7, v3;
	v4 =	vand.u32 $0xFFFFFFF0, v32  }
0x1a2: {  	v3 =	vor.u32 v3, v4  }
0x1a3: {  	v4 =	vperm.xlane v3, v0;
	_ =	sdelay $0x1  }
0x1a4: {  	v3 =	vperm.xlane v3, v2;
	v4 =	vadd.s32 v1, v4;
	_ =	sdelay $0x1  }
0x1a5: {  	v3 =	vadd.s32 v1, v3;
	_ =	sdelay $0x2  }
0x1a6: {  	[hbm4b:s2+s3] =	stream.indirect_vreg.scatter [tilespmem:s21], [sflag:$0x5], $0x80, v4, vm0, $0xb8;
	[tilespmem:$0x1C480] =	vst v63  }
0x1a7: {  	s25 =	simm.s32 $0xCC80  }
0x1a8: {  	[hbm4b:s2+s3] =	stream.indirect_vreg.scatter [tilespmem:s25], [sflag:$0x5], $0x80, v3, vm0, $0xb8;
	[tilespmem:$0x1C480] =	vst v63  }
0x1a9: {  	v3 =	vld [tilespmem:$0x210];
	_ =	sdelay $0x4  }
0x1aa: {  	v33 =	vshll.u32 v3, $0x1  }
0x1ab: {  	v3 =	vand.u32 $0x7, v3;
	v4 =	vand.u32 $0xFFFFFFF0, v33  }
0x1ac: {  	v3 =	vor.u32 v3, v4  }
0x1ad: {  	v4 =	vperm.xlane v3, v0;
	_ =	sdelay $0x1  }
0x1ae: {  	v3 =	vperm.xlane v3, v2;
	v4 =	vadd.s32 v1, v4;
	_ =	sdelay $0x1  }
0x1af: {  	v3 =	vadd.s32 v1, v3;
	_ =	sdelay $0x1  }
0x1b0: {  	s25 =	simm.s32 $0xD480  }
0x1b1: {  	[hbm4b:s2+s3] =	stream.indirect_vreg.scatter [tilespmem:s25], [sflag:$0x5], $0x80, v4, vm0, $0xb8;
	[tilespmem:$0x1C480] =	vst v63  }
0x1b2: {  	s25 =	simm.s32 $0xDC80  }
0x1b3: {  	[hbm4b:s2+s3] =	stream.indirect_vreg.scatter [tilespmem:s25], [sflag:$0x5], $0x80, v3, vm0, $0xb8;
	[tilespmem:$0x1C480] =	vst v63  }
0x1b4: {  	v3 =	vld [tilespmem:$0x220];
	_ =	sdelay $0x4  }
0x1b5: {  	v34 =	vshll.u32 v3, $0x1  }
0x1b6: {  	v3 =	vand.u32 $0x7, v3;
	v4 =	vand.u32 $0xFFFFFFF0, v34  }
0x1b7: {  	v3 =	vor.u32 v3, v4  }
0x1b8: {  	v4 =	vperm.xlane v3, v0;
	_ =	sdelay $0x1  }
0x1b9: {  	v3 =	vperm.xlane v3, v2;
	v4 =	vadd.s32 v1, v4;
	_ =	sdelay $0x1  }
0x1ba: {  	v3 =	vadd.s32 v1, v3;
	_ =	sdelay $0x2  }
0x1bb: {  	[hbm4b:s2+s3] =	stream.indirect_vreg.scatter [tilespmem:s30], [sflag:$0x5], $0x80, v4, vm0, $0xb8;
	[tilespmem:$0x1C480] =	vst v63  }
0x1bc: {  	_ = 	snop  }
0x1bd: {  	[hbm4b:s2+s3] =	stream.indirect_vreg.scatter [tilespmem:s31], [sflag:$0x5], $0x80, v3, vm0, $0xb8;
	[tilespmem:$0x1C480] =	vst v63  }
0x1be: {  	v3 =	vld [tilespmem:$0x230];
	_ =	sdelay $0x4  }
0x1bf: {  	v35 =	vshll.u32 v3, $0x1  }
0x1c0: {  	v3 =	vand.u32 $0x7, v3;
	v4 =	vand.u32 $0xFFFFFFF0, v35  }
0x1c1: {  	v3 =	vor.u32 v3, v4  }
0x1c2: {  	v4 =	vperm.xlane v3, v0;
	_ =	sdelay $0x1  }
0x1c3: {  	v3 =	vperm.xlane v3, v2;
	v4 =	vadd.s32 v1, v4;
	_ =	sdelay $0x1  }
0x1c4: {  	v3 =	vadd.s32 v1, v3;
	_ =	sdelay $0x1  }
0x1c5: {  	s25 =	simm.s32 $0xF480  }
0x1c6: {  	[hbm4b:s2+s3] =	stream.indirect_vreg.scatter [tilespmem:s25], [sflag:$0x5], $0x80, v4, vm0, $0xb8;
	[tilespmem:$0x1C480] =	vst v63  }
0x1c7: {  	s25 =	simm.s32 $0xFC80  }
0x1c8: {  	[hbm4b:s2+s3] =	stream.indirect_vreg.scatter [tilespmem:s25], [sflag:$0x5], $0x80, v3, vm0, $0xb8;
	[tilespmem:$0x1C480] =	vst v63  }
0x1c9: {  	v3 =	vld [tilespmem:$0x240];
	_ =	sdelay $0x4  }
0x1ca: {  	v36 =	vshll.u32 v3, $0x1  }
0x1cb: {  	v3 =	vand.u32 $0x7, v3;
	v4 =	vand.u32 $0xFFFFFFF0, v36  }
0x1cc: {  	v3 =	vor.u32 v3, v4  }
0x1cd: {  	v4 =	vperm.xlane v3, v0;
	_ =	sdelay $0x1  }
0x1ce: {  	v3 =	vperm.xlane v3, v2;
	v4 =	vadd.s32 v1, v4;
	_ =	sdelay $0x1  }
0x1cf: {  	v3 =	vadd.s32 v1, v3;
	_ =	sdelay $0x1  }
0x1d0: {  	s25 =	simm.s32 $0x10480  }
0x1d1: {  	[hbm4b:s2+s3] =	stream.indirect_vreg.scatter [tilespmem:s25], [sflag:$0x5], $0x80, v4, vm0, $0xb8;
	[tilespmem:$0x1C480] =	vst v63  }
0x1d2: {  	s25 =	simm.s32 $0x10C80  }
0x1d3: {  	[hbm4b:s2+s3] =	stream.indirect_vreg.scatter [tilespmem:s25], [sflag:$0x5], $0x80, v3, vm0, $0xb8;
	[tilespmem:$0x1C480] =	vst v63  }
0x1d4: {  	v3 =	vld [tilespmem:$0x250];
	_ =	sdelay $0x4  }
0x1d5: {  	v37 =	vshll.u32 v3, $0x1  }
0x1d6: {  	v3 =	vand.u32 $0x7, v3;
	v4 =	vand.u32 $0xFFFFFFF0, v37  }
0x1d7: {  	v3 =	vor.u32 v3, v4  }
0x1d8: {  	v4 =	vperm.xlane v3, v0;
	_ =	sdelay $0x1  }
0x1d9: {  	v3 =	vperm.xlane v3, v2;
	v4 =	vadd.s32 v1, v4;
	_ =	sdelay $0x1  }
0x1da: {  	v3 =	vadd.s32 v1, v3;
	_ =	sdelay $0x1  }
0x1db: {  	s25 =	simm.s32 $0x11480  }
0x1dc: {  	[hbm4b:s2+s3] =	stream.indirect_vreg.scatter [tilespmem:s25], [sflag:$0x5], $0x80, v4, vm0, $0xb8;
	[tilespmem:$0x1C480] =	vst v63  }
0x1dd: {  	s25 =	simm.s32 $0x11C80  }
0x1de: {  	[hbm4b:s2+s3] =	stream.indirect_vreg.scatter [tilespmem:s25], [sflag:$0x5], $0x80, v3, vm0, $0xb8;
	[tilespmem:$0x1C480] =	vst v63  }
0x1df: {  	v3 =	vld [tilespmem:$0x260];
	_ =	sdelay $0x4  }
0x1e0: {  	v38 =	vshll.u32 v3, $0x1  }
0x1e1: {  	v3 =	vand.u32 $0x7, v3;
	v4 =	vand.u32 $0xFFFFFFF0, v38  }
0x1e2: {  	v3 =	vor.u32 v3, v4  }
0x1e3: {  	v4 =	vperm.xlane v3, v0;
	_ =	sdelay $0x1  }
0x1e4: {  	v3 =	vperm.xlane v3, v2;
	v4 =	vadd.s32 v1, v4;
	_ =	sdelay $0x1  }
0x1e5: {  	v3 =	vadd.s32 v1, v3;
	_ =	sdelay $0x1  }
0x1e6: {  	s25 =	simm.s32 $0x12480  }
0x1e7: {  	[hbm4b:s2+s3] =	stream.indirect_vreg.scatter [tilespmem:s25], [sflag:$0x5], $0x80, v4, vm0, $0xb8;
	[tilespmem:$0x1C480] =	vst v63  }
0x1e8: {  	s25 =	simm.s32 $0x12C80  }
0x1e9: {  	[hbm4b:s2+s3] =	stream.indirect_vreg.scatter [tilespmem:s25], [sflag:$0x5], $0x80, v3, vm0, $0xb8;
	[tilespmem:$0x1C480] =	vst v63  }
0x1ea: {  	v3 =	vld [tilespmem:$0x270];
	_ =	sdelay $0x4  }
0x1eb: {  	v39 =	vshll.u32 v3, $0x1  }
0x1ec: {  	v3 =	vand.u32 $0x7, v3;
	v4 =	vand.u32 $0xFFFFFFF0, v39  }
0x1ed: {  	v3 =	vor.u32 v3, v4  }
0x1ee: {  	v4 =	vperm.xlane v3, v0;
	_ =	sdelay $0x1  }
0x1ef: {  	v3 =	vperm.xlane v3, v2;
	v4 =	vadd.s32 v1, v4;
	_ =	sdelay $0x1  }
0x1f0: {  	v3 =	vadd.s32 v1, v3;
	_ =	sdelay $0x1  }
0x1f1: {  	s25 =	simm.s32 $0x13480  }
0x1f2: {  	[hbm4b:s2+s3] =	stream.indirect_vreg.scatter [tilespmem:s25], [sflag:$0x5], $0x80, v4, vm0, $0xb8;
	[tilespmem:$0x1C480] =	vst v63  }
0x1f3: {  	s25 =	simm.s32 $0x13C80  }
0x1f4: {  	[hbm4b:s2+s3] =	stream.indirect_vreg.scatter [tilespmem:s25], [sflag:$0x5], $0x80, v3, vm0, $0xb8;
	[tilespmem:$0x1C480] =	vst v63  }
0x1f5: {  	_ =	swait.ge [sflag:s20], $0x8000  }
0x1f6: {  	[sflag:s20] =	ssyncset.done $0x0  }
0x1f7: {  	s25 =	rddreg [dreg:$0xe];
	[sflag:s20] =	ssyncadd.s32 $0xFFFF8000  }
0x1f8: {  	[tilespmem:s10], [sflag:$0x1] =	stream.linear.gather [hbm4b:s25+s3], $0x8000, $0x38;
	[tilespmem:$0x1C480] =	vst v63  }
0x1f9: {  	_ =	swait.ge [sflag:s23], $0x8000  }
0x1fa: {  	[sflag:s23] =	ssyncset.done $0x0  }
0x1fb: {  	[sflag:s23] =	ssyncadd.s32 $0xFFFF8000  }
0x1fc: {  	v3 =	vld [tilespmem:$0x280];
	_ =	sdelay $0x4  }
0x1fd: {  	v40 =	vshll.u32 v3, $0x1  }
0x1fe: {  	v3 =	vand.u32 $0x7, v3;
	v4 =	vand.u32 $0xFFFFFFF0, v40  }
0x1ff: {  	v3 =	vor.u32 v3, v4  }
0x200: {  	v4 =	vperm.xlane v3, v0;
	_ =	sdelay $0x1  }
0x201: {  	v3 =	vperm.xlane v3, v2;
	v4 =	vadd.s32 v1, v4;
	_ =	sdelay $0x1  }
0x202: {  	v3 =	vadd.s32 v1, v3;
	_ =	sdelay $0x2  }
0x203: {  	[hbm4b:s2+s3] =	stream.indirect_vreg.scatter [tilespmem:s0], [sflag:$0x6], $0x80, v4, vm0, $0xb8;
	[tilespmem:$0x1C480] =	vst v63  }
0x204: {  	_ = 	snop  }
0x205: {  	[hbm4b:s2+s3] =	stream.indirect_vreg.scatter [tilespmem:s26], [sflag:$0x6], $0x80, v3, vm0, $0xb8;
	[tilespmem:$0x1C480] =	vst v63  }
0x206: {  	v3 =	vld [tilespmem:$0x290];
	_ =	sdelay $0x4  }
0x207: {  	v41 =	vshll.u32 v3, $0x1  }
0x208: {  	v3 =	vand.u32 $0x7, v3;
	v4 =	vand.u32 $0xFFFFFFF0, v41  }
0x209: {  	v3 =	vor.u32 v3, v4  }
0x20a: {  	v4 =	vperm.xlane v3, v0;
	_ =	sdelay $0x1  }
0x20b: {  	v3 =	vperm.xlane v3, v2;
	v4 =	vadd.s32 v1, v4;
	_ =	sdelay $0x1  }
0x20c: {  	v3 =	vadd.s32 v1, v3;
	_ =	sdelay $0x2  }
0x20d: {  	[hbm4b:s2+s3] =	stream.indirect_vreg.scatter [tilespmem:s4], [sflag:$0x6], $0x80, v4, vm0, $0xb8;
	[tilespmem:$0x1C480] =	vst v63  }
0x20e: {  	_ = 	snop  }
0x20f: {  	[hbm4b:s2+s3] =	stream.indirect_vreg.scatter [tilespmem:s7], [sflag:$0x6], $0x80, v3, vm0, $0xb8;
	[tilespmem:$0x1C480] =	vst v63  }
0x210: {  	v3 =	vld [tilespmem:$0x2A0];
	_ =	sdelay $0x4  }
0x211: {  	v42 =	vshll.u32 v3, $0x1  }
0x212: {  	v3 =	vand.u32 $0x7, v3;
	v4 =	vand.u32 $0xFFFFFFF0, v42  }
0x213: {  	v3 =	vor.u32 v3, v4  }
0x214: {  	v4 =	vperm.xlane v3, v0;
	_ =	sdelay $0x1  }
0x215: {  	v3 =	vperm.xlane v3, v2;
	v4 =	vadd.s32 v1, v4;
	_ =	sdelay $0x1  }
0x216: {  	v3 =	vadd.s32 v1, v3;
	_ =	sdelay $0x2  }
0x217: {  	[hbm4b:s2+s3] =	stream.indirect_vreg.scatter [tilespmem:s8], [sflag:$0x6], $0x80, v4, vm0, $0xb8;
	[tilespmem:$0x1C480] =	vst v63  }
0x218: {  	_ = 	snop  }
0x219: {  	[hbm4b:s2+s3] =	stream.indirect_vreg.scatter [tilespmem:s9], [sflag:$0x6], $0x80, v3, vm0, $0xb8;
	[tilespmem:$0x1C480] =	vst v63  }
0x21a: {  	v3 =	vld [tilespmem:$0x2B0];
	_ =	sdelay $0x4  }
0x21b: {  	v43 =	vshll.u32 v3, $0x1  }
0x21c: {  	v3 =	vand.u32 $0x7, v3;
	v4 =	vand.u32 $0xFFFFFFF0, v43  }
0x21d: {  	v3 =	vor.u32 v3, v4  }
0x21e: {  	v4 =	vperm.xlane v3, v0;
	_ =	sdelay $0x1  }
0x21f: {  	v3 =	vperm.xlane v3, v2;
	v4 =	vadd.s32 v1, v4;
	_ =	sdelay $0x1  }
0x220: {  	v3 =	vadd.s32 v1, v3;
	_ =	sdelay $0x2  }
0x221: {  	[hbm4b:s2+s3] =	stream.indirect_vreg.scatter [tilespmem:s12], [sflag:$0x6], $0x80, v4, vm0, $0xb8;
	[tilespmem:$0x1C480] =	vst v63  }
0x222: {  	_ = 	snop  }
0x223: {  	[hbm4b:s2+s3] =	stream.indirect_vreg.scatter [tilespmem:s13], [sflag:$0x6], $0x80, v3, vm0, $0xb8;
	[tilespmem:$0x1C480] =	vst v63  }
0x224: {  	v3 =	vld [tilespmem:$0x2C0];
	_ =	sdelay $0x4  }
0x225: {  	v44 =	vshll.u32 v3, $0x1  }
0x226: {  	v3 =	vand.u32 $0x7, v3;
	v4 =	vand.u32 $0xFFFFFFF0, v44  }
0x227: {  	v3 =	vor.u32 v3, v4  }
0x228: {  	v4 =	vperm.xlane v3, v0;
	_ =	sdelay $0x1  }
0x229: {  	v3 =	vperm.xlane v3, v2;
	v4 =	vadd.s32 v1, v4;
	_ =	sdelay $0x1  }
0x22a: {  	v3 =	vadd.s32 v1, v3;
	_ =	sdelay $0x2  }
0x22b: {  	[hbm4b:s2+s3] =	stream.indirect_vreg.scatter [tilespmem:s14], [sflag:$0x6], $0x80, v4, vm0, $0xb8;
	[tilespmem:$0x1C480] =	vst v63  }
0x22c: {  	_ = 	snop  }
0x22d: {  	[hbm4b:s2+s3] =	stream.indirect_vreg.scatter [tilespmem:s15], [sflag:$0x6], $0x80, v3, vm0, $0xb8;
	[tilespmem:$0x1C480] =	vst v63  }
0x22e: {  	v3 =	vld [tilespmem:$0x2D0];
	_ =	sdelay $0x4  }
0x22f: {  	v45 =	vshll.u32 v3, $0x1  }
0x230: {  	v3 =	vand.u32 $0x7, v3;
	v4 =	vand.u32 $0xFFFFFFF0, v45  }
0x231: {  	v3 =	vor.u32 v3, v4  }
0x232: {  	v4 =	vperm.xlane v3, v0;
	_ =	sdelay $0x1  }
0x233: {  	v3 =	vperm.xlane v3, v2;
	v4 =	vadd.s32 v1, v4;
	_ =	sdelay $0x1  }
0x234: {  	v3 =	vadd.s32 v1, v3;
	_ =	sdelay $0x2  }
0x235: {  	[hbm4b:s2+s3] =	stream.indirect_vreg.scatter [tilespmem:s16], [sflag:$0x6], $0x80, v4, vm0, $0xb8;
	[tilespmem:$0x1C480] =	vst v63  }
0x236: {  	_ = 	snop  }
0x237: {  	[hbm4b:s2+s3] =	stream.indirect_vreg.scatter [tilespmem:s17], [sflag:$0x6], $0x80, v3, vm0, $0xb8;
	[tilespmem:$0x1C480] =	vst v63  }
0x238: {  	v3 =	vld [tilespmem:$0x2E0];
	_ =	sdelay $0x4  }
0x239: {  	v46 =	vshll.u32 v3, $0x1  }
0x23a: {  	v3 =	vand.u32 $0x7, v3;
	v4 =	vand.u32 $0xFFFFFFF0, v46  }
0x23b: {  	v3 =	vor.u32 v3, v4  }
0x23c: {  	v4 =	vperm.xlane v3, v0;
	_ =	sdelay $0x1  }
0x23d: {  	v3 =	vperm.xlane v3, v2;
	v4 =	vadd.s32 v1, v4;
	_ =	sdelay $0x1  }
0x23e: {  	v3 =	vadd.s32 v1, v3;
	_ =	sdelay $0x2  }
0x23f: {  	[hbm4b:s2+s3] =	stream.indirect_vreg.scatter [tilespmem:s18], [sflag:$0x6], $0x80, v4, vm0, $0xb8;
	[tilespmem:$0x1C480] =	vst v63  }
0x240: {  	_ = 	snop  }
0x241: {  	[hbm4b:s2+s3] =	stream.indirect_vreg.scatter [tilespmem:s19], [sflag:$0x6], $0x80, v3, vm0, $0xb8;
	[tilespmem:$0x1C480] =	vst v63  }
0x242: {  	v3 =	vld [tilespmem:$0x2F0];
	_ =	sdelay $0x4  }
0x243: {  	v47 =	vshll.u32 v3, $0x1  }
0x244: {  	v3 =	vand.u32 $0x7, v3;
	v4 =	vand.u32 $0xFFFFFFF0, v47  }
0x245: {  	v3 =	vor.u32 v3, v4  }
0x246: {  	v4 =	vperm.xlane v3, v0;
	_ =	sdelay $0x1  }
0x247: {  	v3 =	vperm.xlane v3, v2;
	v4 =	vadd.s32 v1, v4;
	_ =	sdelay $0x1  }
0x248: {  	v3 =	vadd.s32 v1, v3;
	_ =	sdelay $0x2  }
0x249: {  	[hbm4b:s2+s3] =	stream.indirect_vreg.scatter [tilespmem:s24], [sflag:$0x6], $0x80, v4, vm0, $0xb8;
	[tilespmem:$0x1C480] =	vst v63  }
0x24a: {  	_ = 	snop  }
0x24b: {  	[hbm4b:s2+s3] =	stream.indirect_vreg.scatter [tilespmem:s28], [sflag:$0x6], $0x80, v3, vm0, $0xb8;
	[tilespmem:$0x1C480] =	vst v63  }
0x24c: {  	_ =	swait.ge [sflag:s22], $0x8000  }
0x24d: {  	[sflag:s22] =	ssyncset.done $0x0  }
0x24e: {  	s0 =	rddreg [dreg:$0xf];
	[sflag:s22] =	ssyncadd.s32 $0xFFFF8000  }
0x24f: {  	[tilespmem:s21], [sflag:$0x2] =	stream.linear.gather [hbm4b:s0+s3], $0x8000, $0x38;
	[tilespmem:$0x1C480] =	vst v63  }
0x250: {  	_ =	swait.ge [sflag:s11], $0x8000  }
0x251: {  	[sflag:s11] =	ssyncset.done $0x0  }
0x252: {  	[sflag:s11] =	ssyncadd.s32 $0xFFFF8000  }
0x253: {  	v3 =	vld [tilespmem:$0x300];
	_ =	sdelay $0x4  }
0x254: {  	v48 =	vshll.u32 v3, $0x1  }
0x255: {  	v3 =	vand.u32 $0x7, v3;
	v4 =	vand.u32 $0xFFFFFFF0, v48  }
0x256: {  	v3 =	vor.u32 v3, v4  }
0x257: {  	v4 =	vperm.xlane v3, v0;
	_ =	sdelay $0x1  }
0x258: {  	v3 =	vperm.xlane v3, v2;
	v4 =	vadd.s32 v1, v4;
	_ =	sdelay $0x1  }
0x259: {  	v3 =	vadd.s32 v1, v3;
	_ =	sdelay $0x2  }
0x25a: {  	[hbm4b:s2+s3] =	stream.indirect_vreg.scatter [tilespmem:s10], [sflag:$0x4], $0x80, v4, vm0, $0xb8;
	[tilespmem:$0x1C480] =	vst v63  }
0x25b: {  	s4 =	simm.s32 $0x4C80  }
0x25c: {  	[hbm4b:s2+s3] =	stream.indirect_vreg.scatter [tilespmem:s4], [sflag:$0x4], $0x80, v3, vm0, $0xb8;
	[tilespmem:$0x1C480] =	vst v63  }
0x25d: {  	v3 =	vld [tilespmem:$0x310];
	_ =	sdelay $0x4  }
0x25e: {  	v49 =	vshll.u32 v3, $0x1  }
0x25f: {  	v3 =	vand.u32 $0x7, v3;
	v4 =	vand.u32 $0xFFFFFFF0, v49  }
0x260: {  	v3 =	vor.u32 v3, v4  }
0x261: {  	v4 =	vperm.xlane v3, v0;
	_ =	sdelay $0x1  }
0x262: {  	v3 =	vperm.xlane v3, v2;
	v4 =	vadd.s32 v1, v4;
	_ =	sdelay $0x1  }
0x263: {  	v3 =	vadd.s32 v1, v3;
	_ =	sdelay $0x1  }
0x264: {  	s25 =	simm.s32 $0x5480  }
0x265: {  	[hbm4b:s2+s3] =	stream.indirect_vreg.scatter [tilespmem:s25], [sflag:$0x4], $0x80, v4, vm0, $0xb8;
	[tilespmem:$0x1C480] =	vst v63  }
0x266: {  	s26 =	simm.s32 $0x5C80  }
0x267: {  	[hbm4b:s2+s3] =	stream.indirect_vreg.scatter [tilespmem:s26], [sflag:$0x4], $0x80, v3, vm0, $0xb8;
	[tilespmem:$0x1C480] =	vst v63  }
0x268: {  	v3 =	vld [tilespmem:$0x320];
	_ =	sdelay $0x4  }
0x269: {  	v50 =	vshll.u32 v3, $0x1  }
0x26a: {  	v3 =	vand.u32 $0x7, v3;
	v4 =	vand.u32 $0xFFFFFFF0, v50  }
0x26b: {  	v3 =	vor.u32 v3, v4  }
0x26c: {  	v4 =	vperm.xlane v3, v0;
	_ =	sdelay $0x1  }
0x26d: {  	v3 =	vperm.xlane v3, v2;
	v4 =	vadd.s32 v1, v4;
	_ =	sdelay $0x1  }
0x26e: {  	v3 =	vadd.s32 v1, v3;
	_ =	sdelay $0x1  }
0x26f: {  	s4 =	simm.s32 $0x6480  }
0x270: {  	[hbm4b:s2+s3] =	stream.indirect_vreg.scatter [tilespmem:s4], [sflag:$0x4], $0x80, v4, vm0, $0xb8;
	[tilespmem:$0x1C480] =	vst v63  }
0x271: {  	s25 =	simm.s32 $0x6C80  }
0x272: {  	[hbm4b:s2+s3] =	stream.indirect_vreg.scatter [tilespmem:s25], [sflag:$0x4], $0x80, v3, vm0, $0xb8;
	[tilespmem:$0x1C480] =	vst v63  }
0x273: {  	v3 =	vld [tilespmem:$0x330];
	_ =	sdelay $0x4  }
0x274: {  	v51 =	vshll.u32 v3, $0x1  }
0x275: {  	v3 =	vand.u32 $0x7, v3;
	v4 =	vand.u32 $0xFFFFFFF0, v51  }
0x276: {  	v3 =	vor.u32 v3, v4  }
0x277: {  	v4 =	vperm.xlane v3, v0;
	_ =	sdelay $0x1  }
0x278: {  	v3 =	vperm.xlane v3, v2;
	v4 =	vadd.s32 v1, v4;
	_ =	sdelay $0x1  }
0x279: {  	v3 =	vadd.s32 v1, v3;
	_ =	sdelay $0x1  }
0x27a: {  	s26 =	simm.s32 $0x7480  }
0x27b: {  	[hbm4b:s2+s3] =	stream.indirect_vreg.scatter [tilespmem:s26], [sflag:$0x4], $0x80, v4, vm0, $0xb8;
	[tilespmem:$0x1C480] =	vst v63  }
0x27c: {  	s4 =	simm.s32 $0x7C80  }
0x27d: {  	[hbm4b:s2+s3] =	stream.indirect_vreg.scatter [tilespmem:s4], [sflag:$0x4], $0x80, v3, vm0, $0xb8;
	[tilespmem:$0x1C480] =	vst v63  }
0x27e: {  	v3 =	vld [tilespmem:$0x340];
	_ =	sdelay $0x4  }
0x27f: {  	v52 =	vshll.u32 v3, $0x1  }
0x280: {  	v3 =	vand.u32 $0x7, v3;
	v4 =	vand.u32 $0xFFFFFFF0, v52  }
0x281: {  	v3 =	vor.u32 v3, v4  }
0x282: {  	v4 =	vperm.xlane v3, v0;
	_ =	sdelay $0x1  }
0x283: {  	v3 =	vperm.xlane v3, v2;
	v4 =	vadd.s32 v1, v4;
	_ =	sdelay $0x1  }
0x284: {  	v3 =	vadd.s32 v1, v3;
	_ =	sdelay $0x1  }
0x285: {  	s25 =	simm.s32 $0x8480  }
0x286: {  	[hbm4b:s2+s3] =	stream.indirect_vreg.scatter [tilespmem:s25], [sflag:$0x4], $0x80, v4, vm0, $0xb8;
	[tilespmem:$0x1C480] =	vst v63  }
0x287: {  	s26 =	simm.s32 $0x8C80  }
0x288: {  	[hbm4b:s2+s3] =	stream.indirect_vreg.scatter [tilespmem:s26], [sflag:$0x4], $0x80, v3, vm0, $0xb8;
	[tilespmem:$0x1C480] =	vst v63  }
0x289: {  	v3 =	vld [tilespmem:$0x350];
	_ =	sdelay $0x4  }
0x28a: {  	v53 =	vshll.u32 v3, $0x1  }
0x28b: {  	v3 =	vand.u32 $0x7, v3;
	v4 =	vand.u32 $0xFFFFFFF0, v53  }
0x28c: {  	v3 =	vor.u32 v3, v4  }
0x28d: {  	v4 =	vperm.xlane v3, v0;
	_ =	sdelay $0x1  }
0x28e: {  	v3 =	vperm.xlane v3, v2;
	v4 =	vadd.s32 v1, v4;
	_ =	sdelay $0x1  }
0x28f: {  	v3 =	vadd.s32 v1, v3;
	_ =	sdelay $0x1  }
0x290: {  	s4 =	simm.s32 $0x9480  }
0x291: {  	[hbm4b:s2+s3] =	stream.indirect_vreg.scatter [tilespmem:s4], [sflag:$0x4], $0x80, v4, vm0, $0xb8;
	[tilespmem:$0x1C480] =	vst v63  }
0x292: {  	s25 =	simm.s32 $0x9C80  }
0x293: {  	[hbm4b:s2+s3] =	stream.indirect_vreg.scatter [tilespmem:s25], [sflag:$0x4], $0x80, v3, vm0, $0xb8;
	[tilespmem:$0x1C480] =	vst v63  }
0x294: {  	v3 =	vld [tilespmem:$0x360];
	_ =	sdelay $0x4  }
0x295: {  	v54 =	vshll.u32 v3, $0x1  }
0x296: {  	v3 =	vand.u32 $0x7, v3;
	v4 =	vand.u32 $0xFFFFFFF0, v54  }
0x297: {  	v3 =	vor.u32 v3, v4  }
0x298: {  	v4 =	vperm.xlane v3, v0;
	_ =	sdelay $0x1  }
0x299: {  	v3 =	vperm.xlane v3, v2;
	v4 =	vadd.s32 v1, v4;
	_ =	sdelay $0x1  }
0x29a: {  	v3 =	vadd.s32 v1, v3;
	_ =	sdelay $0x1  }
0x29b: {  	s26 =	simm.s32 $0xA480  }
0x29c: {  	[hbm4b:s2+s3] =	stream.indirect_vreg.scatter [tilespmem:s26], [sflag:$0x4], $0x80, v4, vm0, $0xb8;
	[tilespmem:$0x1C480] =	vst v63  }
0x29d: {  	s4 =	simm.s32 $0xAC80  }
0x29e: {  	[hbm4b:s2+s3] =	stream.indirect_vreg.scatter [tilespmem:s4], [sflag:$0x4], $0x80, v3, vm0, $0xb8;
	[tilespmem:$0x1C480] =	vst v63  }
0x29f: {  	v3 =	vld [tilespmem:$0x370];
	_ =	sdelay $0x4  }
0x2a0: {  	v55 =	vshll.u32 v3, $0x1  }
0x2a1: {  	v3 =	vand.u32 $0x7, v3;
	v4 =	vand.u32 $0xFFFFFFF0, v55  }
0x2a2: {  	v3 =	vor.u32 v3, v4  }
0x2a3: {  	v4 =	vperm.xlane v3, v0;
	_ =	sdelay $0x1  }
0x2a4: {  	v3 =	vperm.xlane v3, v2;
	v4 =	vadd.s32 v1, v4;
	_ =	sdelay $0x1  }
0x2a5: {  	v3 =	vadd.s32 v1, v3;
	_ =	sdelay $0x1  }
0x2a6: {  	s25 =	simm.s32 $0xB480  }
0x2a7: {  	[hbm4b:s2+s3] =	stream.indirect_vreg.scatter [tilespmem:s25], [sflag:$0x4], $0x80, v4, vm0, $0xb8;
	[tilespmem:$0x1C480] =	vst v63  }
0x2a8: {  	s26 =	simm.s32 $0xBC80  }
0x2a9: {  	[hbm4b:s2+s3] =	stream.indirect_vreg.scatter [tilespmem:s26], [sflag:$0x4], $0x80, v3, vm0, $0xb8;
	[tilespmem:$0x1C480] =	vst v63  }
0x2aa: {  	_ =	swait.ge [sflag:s29], $0x8000  }
0x2ab: {  	[sflag:s29] =	ssyncset.done $0x0  }
0x2ac: {  	[sflag:s29] =	ssyncadd.s32 $0xFFFF8000  }
0x2ad: {  	v3 =	vld [tilespmem:$0x380];
	_ =	sdelay $0x4  }
0x2ae: {  	v56 =	vshll.u32 v3, $0x1  }
0x2af: {  	v3 =	vand.u32 $0x7, v3;
	v4 =	vand.u32 $0xFFFFFFF0, v56  }
0x2b0: {  	v3 =	vor.u32 v3, v4  }
0x2b1: {  	v4 =	vperm.xlane v3, v0;
	_ =	sdelay $0x1  }
0x2b2: {  	v3 =	vperm.xlane v3, v2;
	v4 =	vadd.s32 v1, v4;
	_ =	sdelay $0x1  }
0x2b3: {  	v3 =	vadd.s32 v1, v3;
	_ =	sdelay $0x2  }
0x2b4: {  	[hbm4b:s2+s3] =	stream.indirect_vreg.scatter [tilespmem:s21], [sflag:$0x5], $0x80, v4, vm0, $0xb8;
	[tilespmem:$0x1C480] =	vst v63  }
0x2b5: {  	s4 =	simm.s32 $0xCC80  }
0x2b6: {  	[hbm4b:s2+s3] =	stream.indirect_vreg.scatter [tilespmem:s4], [sflag:$0x5], $0x80, v3, vm0, $0xb8;
	[tilespmem:$0x1C480] =	vst v63  }
0x2b7: {  	v3 =	vld [tilespmem:$0x390];
	_ =	sdelay $0x4  }
0x2b8: {  	v57 =	vshll.u32 v3, $0x1  }
0x2b9: {  	v3 =	vand.u32 $0x7, v3;
	v4 =	vand.u32 $0xFFFFFFF0, v57  }
0x2ba: {  	v3 =	vor.u32 v3, v4  }
0x2bb: {  	v4 =	vperm.xlane v3, v0;
	_ =	sdelay $0x1  }
0x2bc: {  	v3 =	vperm.xlane v3, v2;
	v4 =	vadd.s32 v1, v4;
	_ =	sdelay $0x1  }
0x2bd: {  	v3 =	vadd.s32 v1, v3;
	_ =	sdelay $0x1  }
0x2be: {  	s25 =	simm.s32 $0xD480  }
0x2bf: {  	[hbm4b:s2+s3] =	stream.indirect_vreg.scatter [tilespmem:s25], [sflag:$0x5], $0x80, v4, vm0, $0xb8;
	[tilespmem:$0x1C480] =	vst v63  }
0x2c0: {  	s26 =	simm.s32 $0xDC80  }
0x2c1: {  	[hbm4b:s2+s3] =	stream.indirect_vreg.scatter [tilespmem:s26], [sflag:$0x5], $0x80, v3, vm0, $0xb8;
	[tilespmem:$0x1C480] =	vst v63  }
0x2c2: {  	v3 =	vld [tilespmem:$0x3A0];
	_ =	sdelay $0x4  }
0x2c3: {  	v58 =	vshll.u32 v3, $0x1  }
0x2c4: {  	v3 =	vand.u32 $0x7, v3;
	v4 =	vand.u32 $0xFFFFFFF0, v58  }
0x2c5: {  	v3 =	vor.u32 v3, v4  }
0x2c6: {  	v4 =	vperm.xlane v3, v0;
	_ =	sdelay $0x1  }
0x2c7: {  	v3 =	vperm.xlane v3, v2;
	v4 =	vadd.s32 v1, v4;
	_ =	sdelay $0x1  }
0x2c8: {  	v3 =	vadd.s32 v1, v3;
	_ =	sdelay $0x2  }
0x2c9: {  	[hbm4b:s2+s3] =	stream.indirect_vreg.scatter [tilespmem:s30], [sflag:$0x5], $0x80, v4, vm0, $0xb8;
	[tilespmem:$0x1C480] =	vst v63  }
0x2ca: {  	_ = 	snop  }
0x2cb: {  	[hbm4b:s2+s3] =	stream.indirect_vreg.scatter [tilespmem:s31], [sflag:$0x5], $0x80, v3, vm0, $0xb8;
	[tilespmem:$0x1C480] =	vst v63  }
0x2cc: {  	v3 =	vld [tilespmem:$0x3B0];
	_ =	sdelay $0x4  }
0x2cd: {  	v59 =	vshll.u32 v3, $0x1  }
0x2ce: {  	v3 =	vand.u32 $0x7, v3;
	v4 =	vand.u32 $0xFFFFFFF0, v59  }
0x2cf: {  	v3 =	vor.u32 v3, v4  }
0x2d0: {  	v4 =	vperm.xlane v3, v0;
	_ =	sdelay $0x1  }
0x2d1: {  	v3 =	vperm.xlane v3, v2;
	v4 =	vadd.s32 v1, v4;
	_ =	sdelay $0x1  }
0x2d2: {  	v3 =	vadd.s32 v1, v3;
	_ =	sdelay $0x1  }
0x2d3: {  	s31 =	simm.s32 $0xF480  }
0x2d4: {  	[hbm4b:s2+s3] =	stream.indirect_vreg.scatter [tilespmem:s31], [sflag:$0x5], $0x80, v4, vm0, $0xb8;
	[tilespmem:$0x1C480] =	vst v63  }
0x2d5: {  	s4 =	simm.s32 $0xFC80  }
0x2d6: {  	[hbm4b:s2+s3] =	stream.indirect_vreg.scatter [tilespmem:s4], [sflag:$0x5], $0x80, v3, vm0, $0xb8;
	[tilespmem:$0x1C480] =	vst v63  }
0x2d7: {  	v3 =	vld [tilespmem:$0x3C0];
	_ =	sdelay $0x4  }
0x2d8: {  	v60 =	vshll.u32 v3, $0x1  }
0x2d9: {  	v3 =	vand.u32 $0x7, v3;
	v4 =	vand.u32 $0xFFFFFFF0, v60  }
0x2da: {  	v3 =	vor.u32 v3, v4  }
0x2db: {  	v4 =	vperm.xlane v3, v0;
	_ =	sdelay $0x1  }
0x2dc: {  	v3 =	vperm.xlane v3, v2;
	v4 =	vadd.s32 v1, v4;
	_ =	sdelay $0x1  }
0x2dd: {  	v3 =	vadd.s32 v1, v3;
	_ =	sdelay $0x1  }
0x2de: {  	s25 =	simm.s32 $0x10480  }
0x2df: {  	[hbm4b:s2+s3] =	stream.indirect_vreg.scatter [tilespmem:s25], [sflag:$0x5], $0x80, v4, vm0, $0xb8;
	[tilespmem:$0x1C480] =	vst v63  }
0x2e0: {  	s26 =	simm.s32 $0x10C80  }
0x2e1: {  	[hbm4b:s2+s3] =	stream.indirect_vreg.scatter [tilespmem:s26], [sflag:$0x5], $0x80, v3, vm0, $0xb8;
	[tilespmem:$0x1C480] =	vst v63  }
0x2e2: {  	v3 =	vld [tilespmem:$0x3D0];
	_ =	sdelay $0x4  }
0x2e3: {  	v61 =	vshll.u32 v3, $0x1  }
0x2e4: {  	v3 =	vand.u32 $0x7, v3;
	v4 =	vand.u32 $0xFFFFFFF0, v61  }
0x2e5: {  	v3 =	vor.u32 v3, v4  }
0x2e6: {  	v4 =	vperm.xlane v3, v0;
	_ =	sdelay $0x1  }
0x2e7: {  	v3 =	vperm.xlane v3, v2;
	v4 =	vadd.s32 v1, v4;
	_ =	sdelay $0x1  }
0x2e8: {  	v3 =	vadd.s32 v1, v3;
	_ =	sdelay $0x1  }
0x2e9: {  	s30 =	simm.s32 $0x11480  }
0x2ea: {  	[hbm4b:s2+s3] =	stream.indirect_vreg.scatter [tilespmem:s30], [sflag:$0x5], $0x80, v4, vm0, $0xb8;
	[tilespmem:$0x1C480] =	vst v63  }
0x2eb: {  	s31 =	simm.s32 $0x11C80  }
0x2ec: {  	[hbm4b:s2+s3] =	stream.indirect_vreg.scatter [tilespmem:s31], [sflag:$0x5], $0x80, v3, vm0, $0xb8;
	[tilespmem:$0x1C480] =	vst v63  }
0x2ed: {  	v3 =	vld [tilespmem:$0x3E0];
	_ =	sdelay $0x4  }
0x2ee: {  	v62 =	vshll.u32 v3, $0x1  }
0x2ef: {  	v3 =	vand.u32 $0x7, v3;
	v4 =	vand.u32 $0xFFFFFFF0, v62  }
0x2f0: {  	v3 =	vor.u32 v3, v4  }
0x2f1: {  	v4 =	vperm.xlane v3, v0;
	_ =	sdelay $0x1  }
0x2f2: {  	v3 =	vperm.xlane v3, v2;
	v4 =	vadd.s32 v1, v4;
	_ =	sdelay $0x1  }
0x2f3: {  	v3 =	vadd.s32 v1, v3;
	_ =	sdelay $0x1  }
0x2f4: {  	s4 =	simm.s32 $0x12480  }
0x2f5: {  	[hbm4b:s2+s3] =	stream.indirect_vreg.scatter [tilespmem:s4], [sflag:$0x5], $0x80, v4, vm0, $0xb8;
	[tilespmem:$0x1C480] =	vst v63  }
0x2f6: {  	s25 =	simm.s32 $0x12C80  }
0x2f7: {  	[hbm4b:s2+s3] =	stream.indirect_vreg.scatter [tilespmem:s25], [sflag:$0x5], $0x80, v3, vm0, $0xb8;
	[tilespmem:$0x1C480] =	vst v63  }
0x2f8: {  	v3 =	vld [tilespmem:$0x3F0];
	_ =	sdelay $0x4  }
0x2f9: {  	v63 =	vshll.u32 v3, $0x1  }
0x2fa: {  	v3 =	vand.u32 $0x7, v3;
	v4 =	vand.u32 $0xFFFFFFF0, v63  }
0x2fb: {  	v3 =	vor.u32 v3, v4  }
0x2fc: {  	v4 =	vperm.xlane v3, v0;
	_ =	sdelay $0x1  }
0x2fd: {  	v3 =	vperm.xlane v3, v2;
	v4 =	vadd.s32 v1, v4;
	_ =	sdelay $0x1  }
0x2fe: {  	v3 =	vadd.s32 v1, v3;
	_ =	sdelay $0x1  }
0x2ff: {  	s26 =	simm.s32 $0x13480  }
0x300: {  	[hbm4b:s2+s3] =	stream.indirect_vreg.scatter [tilespmem:s26], [sflag:$0x5], $0x80, v4, vm0, $0xb8;
	[tilespmem:$0x1C480] =	vst v63  }
0x301: {  	s30 =	simm.s32 $0x13C80  }
0x302: {  	[hbm4b:s2+s3] =	stream.indirect_vreg.scatter [tilespmem:s30], [sflag:$0x5], $0x80, v3, vm0, $0xb8;
	[tilespmem:$0x1C480] =	vst v63  }
0x303: {  	_ =	swait.ge [sflag:s6], $0x8000  }
0x304: {  	[sflag:s6] =	ssyncset.done $0x0  }
0x305: {  	[sflag:s6] =	ssyncadd.s32 $0xFFFF8000  }
0x306: {  	_ =	swait.ge [sflag:s20], $0x8000  }
0x307: {  	[sflag:s20] =	ssyncset.done $0x0  }
0x308: {  	[sflag:s20] =	ssyncadd.s32 $0xFFFF8000  }
0x309: {  	p0 =	sne.s32 s5, $0x1;
	_ =	swait.ge [sflag:s22], $0x8000  }
.Ltmp0:
0x30a: {  	[sflag:s22] =	ssyncset.done $0x0;
	(pc) =	sbr.rel @p0 .LBB2_1-.Ltmp0, $4  }
0x30b: {  	s31 =	simm.s32 $0x7;
	[sflag:s22] =	ssyncadd.s32 $0xFFFF8000  }
0x30c: {  	_ =	swait.ge [sflag:s31], $0x4000  }
0x30d: {  	[sflag:s31] =	ssyncset.done $0x0  }
0x30e: {  	s5 =	sadd.s32 $0xFFFFFFFF, s5;
	[sflag:s31] =	ssyncadd.s32 $0xFFFFC000  }
0x30f: {  	_ =	sfence.sel $0x180000  }
0x310: {  	[bflag:$0x0] =	sbarrier.arrive $0xFFFF  }
0x311: {  	_ =	strace $0x90000047  }
0x312: {  	s0 =	stileid.u32;
	[bflag:$0x2] =	sbarrier.arrive $0xFFFF  }
0x313: {  	p0 =	sne.s32 s0, $0x0;
	s0 =	rddreg [dreg:$0x4]  }
0x314: {  	s0 =	sadd.s32 @!p0 $0x100000, s0  }
0x315: {  	[sflag:s0] =	ssyncadd.tile.s32 @!p0 $0x1;
	_ =	shalt  }
.Lfunc_end2:
_tile_overlayer_lowered:
.L_overlay_start_2:
0x316: {  	(tag) =	ssettag $0x2  }
0x317: {  	s0 =	rddreg [dreg:$0x0];
	s2 =	stileid.u32  }
0x318: {  	s1 =	rddreg [dreg:$0x1];
	p0 =	sne.s32 s2, $0x0  }
0x319: {  	s3 =	rddreg [dreg:$0x2];
	[bflag:$0x3] =	sbarrier.arrive $0xFFFF;
	s2 =	simm.s32 @!p0 $0x1C08  }
0x31a: {  	[timem:s3], [sflag:s2] =	dma.local @!p0 [hbm:s0], s1  }
0x31b: {  	s0 =	simm.s32 @!p0 $0x8  }
0x31c: {  	_ =	swait.ge @!p0 [sflag:s0], s1  }
0x31d: {  	s1 =	ssub.s32 @!p0 $0x0, s1;
	[sflag:s0] =	ssyncset.done @!p0 $0x0  }
0x31e: {  	[sflag:s0] =	ssyncadd.s32 @!p0 s1  }
0x31f: {  	[bflag:$0x3] =	sbarrier.arrive $0xFFFF  }
0x320: {  	_ =	shalt  }

</sc_bundles>
